<compile_context>
chip_gen: v7x
topology: tpu7x:2x2x1
jax: 0.10.2.dev20260603
libtpu: 0.0.44.dev20260713+nightly
codegen_flags: <defaults>
</compile_context>

<pallas_src>
import functools

import jax
import jax.numpy as jnp
from jax import lax
from jax.experimental import pallas as pl
from jax.experimental.pallas import tpu as pltpu
from jax.experimental.pallas import tpu_sc as plsc

B = 8192
D = 128
C = 100
NBINS = 128
BIN_LEN = 4.0
EPS = 1e-07

BLK = 1024
NSUB = 16
PPW = B // NSUB
NGRP = PPW // 16
STG = 288


def _dense_body(x_ref, q_ref, y_ref, y0_ref, d_ref, nbr_ref):
    x = x_ref[...]
    q = q_ref[...].reshape(1, 1, D)
    diff = x - q
    d_ref[...] = jnp.sum(diff * diff, axis=2)

    big = jnp.int32(1 << 30)
    neg = jnp.float32(-jnp.inf)
    y = y_ref[...]
    cols = lax.broadcasted_iota(jnp.int32, y.shape, 2)
    y = jnp.where(cols < C, y, neg)
    m = jnp.max(y, axis=2, keepdims=True)
    lab = jnp.min(jnp.where(y == m, cols, big), axis=2)

    y0 = y0_ref[...].reshape(1, 1, C)
    cols0 = lax.broadcasted_iota(jnp.int32, y0.shape, 2)
    y0 = jnp.where(cols0 < C, y0, neg)
    m0 = jnp.max(y0, axis=2, keepdims=True)
    lab0 = jnp.min(jnp.where(y0 == m0, cols0, big), axis=2)

    nbr_ref[...] = (lab == lab0).astype(jnp.float32)


def _dense_stage(output, Y):
    grid = B // BLK
    nb = BLK // 128
    x3 = output.reshape(B // 128, 128, D)
    y3 = Y.reshape(B // 128, 128, C)
    qrow = output[0:1]
    y0row = Y[0:1]
    d2, nbr2 = pl.pallas_call(
        _dense_body,
        grid=(grid,),
        in_specs=[
            pl.BlockSpec((nb, 128, D), lambda i: (i, 0, 0)),
            pl.BlockSpec((1, D), lambda i: (0, 0)),
            pl.BlockSpec((nb, 128, C), lambda i: (i, 0, 0)),
            pl.BlockSpec((1, C), lambda i: (0, 0)),
        ],
        out_specs=[
            pl.BlockSpec((nb, 128), lambda i: (i, 0)),
            pl.BlockSpec((nb, 128), lambda i: (i, 0)),
        ],
        out_shape=[
            jax.ShapeDtypeStruct((B // 128, 128), jnp.float32),
            jax.ShapeDtypeStruct((B // 128, 128), jnp.float32),
        ],
    )(x3, qrow, y3, y0row)
    return d2.reshape(B), nbr2.reshape(B)


def _sc_body(d_hbm, nbr_hbm, out_hbm, d_v, nbr_v, hist_v, stage_v, all_v, shared):
    wid = lax.axis_index("s")
    base = wid * PPW
    pltpu.sync_copy(d_hbm.at[pl.ds(base, PPW)], d_v)
    pltpu.sync_copy(nbr_hbm.at[pl.ds(base, PPW)], nbr_v)

    zero = jnp.zeros((16,), jnp.float32)
    def _zero(i, carry):
        hist_v[pl.ds(i * 16, 16)] = zero
        return carry

    lax.fori_loop(0, 256, _zero, 0)

    lane = lax.iota(jnp.int32, 16)
    lane_off = lane * NBINS
    np_acc = zero

    def _group(g, acc):
        dv = d_v[pl.ds(g * 16, 16)]
        nb = nbr_v[pl.ds(g * 16, 16)]
        gidx = jnp.int32(base) + jnp.int32(g * 16) + lane
        u = (dv + 2.0) * 0.25
        ku = u.astype(jnp.int32)
        frac = u - ku.astype(jnp.float32)
        k1 = ku
        k0 = ku - 1
        w1 = frac
        w0 = 1.0 - frac
        jm = gidx > 0
        m0 = (k0 >= 0) & (k0 < NBINS) & jm
        m1 = (k1 >= 0) & (k1 < NBINS) & jm
        zf = jnp.float32(0.0)
        w0 = jnp.where(m0, w0, zf)
        w1 = jnp.where(m1, w1, zf)
        i0 = jnp.clip(k0, 0, NBINS - 1) + lane_off
        i1 = jnp.clip(k1, 0, NBINS - 1) + lane_off
        plsc.addupdate_scatter(hist_v, [i0], w0)
        plsc.addupdate_scatter(hist_v, [i1], w1)
        plsc.addupdate_scatter(hist_v, [i0 + 2048], w0 * nb)
        plsc.addupdate_scatter(hist_v, [i1 + 2048], w1 * nb)
        return acc + nb

    np_acc = lax.fori_loop(0, NGRP, _group, np_acc)

    npw = jnp.sum(np_acc)
    stage_v[pl.ds(2 * NBINS, 16)] = jnp.full((16,), npw, jnp.float32)
    stage_v[pl.ds(2 * NBINS + 16, 16)] = zero
    plsc.subcore_barrier()
    pl.delay(500)

    def _fold(c, carry):
        def _lane_sum(l, a):
            return a + hist_v[pl.ds(l * NBINS + c * 16, 16)]

        h = lax.fori_loop(0, 16, _lane_sum, zero)

        def _lane_sum_p(l, a):
            return a + hist_v[pl.ds(2048 + l * NBINS + c * 16, 16)]

        hp = lax.fori_loop(0, 16, _lane_sum_p, zero)
        stage_v[pl.ds(c * 16, 16)] = h
        stage_v[pl.ds(NBINS + c * 16, 16)] = hp
        return carry

    lax.fori_loop(0, 8, _fold, 0)

    pltpu.sync_copy(stage_v, shared.at[wid])
    plsc.subcore_barrier()

    @pl.when(wid == 0)
    def _finalize():
        pltpu.sync_copy(shared, all_v)

        def _chunk_sum(c):
            def _row(r, a):
                return a + all_v[r, pl.ds(c * 16, 16)]

            return lax.fori_loop(0, NSUB, _row, zero)

        carry_h = jnp.float32(0.0)
        carry_hp = jnp.float32(0.0)
        loss_acc = zero
        for c in range(8):
            h = _chunk_sum(c)
            hp = _chunk_sum(8 + c)
            ch = plsc.cumsum(h) + carry_h
            chp = plsc.cumsum(hp) + carry_hp
            carry_h = carry_h + jnp.sum(h)
            carry_hp = carry_hp + jnp.sum(hp)
            loss_acc = loss_acc + hp * chp / (ch + EPS)
        n_plus = _chunk_sum(16)
        loss_vec = jnp.full((16,), jnp.sum(loss_acc), jnp.float32) / n_plus
        stage_v[pl.ds(0, 16)] = loss_vec
        pltpu.sync_copy(stage_v.at[pl.ds(0, 16)], out_hbm)


def _sc_stage(d, nbr):
    mesh = plsc.VectorSubcoreMesh(
        core_axis_name="c", subcore_axis_name="s", num_cores=1
    )
    f = functools.partial(
        pl.kernel,
        mesh=mesh,
        compiler_params=pltpu.CompilerParams(needs_layout_passes=False),
        out_type=jax.ShapeDtypeStruct((16,), jnp.float32),
        scratch_types=[
            pltpu.VMEM((PPW,), jnp.float32),
            pltpu.VMEM((PPW,), jnp.float32),
            pltpu.VMEM((4096,), jnp.float32),
            pltpu.VMEM((STG,), jnp.float32),
            pltpu.VMEM((NSUB, STG), jnp.float32),
            pltpu.VMEM_SHARED((NSUB, STG), jnp.float32),
        ],
    )(_sc_body)
    return f(d, nbr)


def kernel(output, pos_output, neg_output, Y):
    d, nbr = _dense_stage(output, Y)
    out = _sc_stage(d, nbr)
    return out[0]

# --- scband reference (transcript-rebuilt; emitter-appended) ---
"""Pipeline reference for scband-fast-ap-31301721653821 (READ-ONLY COPY).

The authoritative reference and input builder live on the scoring server;
editing this copy changes nothing except your own understanding.
"""

import jax, jax.numpy as jnp
import numpy as np

BIN_SIZE = 128
START_BIN = 0.0
END_BIN = 512.0
BIN_LENGTH = (END_BIN - START_BIN) / BIN_SIZE
BINS = jnp.asarray(np.arange(START_BIN + BIN_LENGTH / 2, END_BIN, BIN_LENGTH), dtype=jnp.float32)
EPS = 1e-07


def setup_inputs(seed: int = 0) -> dict:
    key = jax.random.key(seed)
    k1, k2, k3, k4 = jax.random.split(key, 4)
    B, D, C = 8192, 128, 100
    output = jax.random.normal(k1, (B, D), dtype=jnp.float32)
    pos_output = jax.random.normal(k2, (B, D), dtype=jnp.float32)
    neg_output = jax.random.normal(k3, (B, D), dtype=jnp.float32)
    Y = jax.random.normal(k4, (B, C), dtype=jnp.float32)
    return {"output": output, "pos_output": pos_output, "neg_output": neg_output, "Y": Y}


def _query_bin_counter(query, retrievals, weights=None):
    # squared euclidean distance of each retrieval to the query
    d = jnp.sum((retrievals - query[None, :]) ** 2, axis=1)  # [N]
    # soft (triangular-kernel) histogram assignment
    delta = 1.0 - jnp.abs(BINS[None, :] - d[:, None]) / BIN_LENGTH  # [N, BIN_SIZE]
    delta = jnp.where(delta < 0.0, 0.0, delta)
    if weights is not None:
        # weights=1 for positive retrievals, 0 otherwise; identical to
        # torch's boolean-mask gather of pos_retrievals followed by sum over rows
        delta = delta * weights[:, None]
    h = jnp.sum(delta, axis=0)  # [BIN_SIZE]
    H = jnp.cumsum(h, axis=0)
    return h, H


def reference(output, pos_output, neg_output, Y):
    # labels / neighbor matrix
    labels = jnp.argmax(Y, axis=1)  # [B]
    neighbors = labels[None, :] == labels[:, None]  # [B, B]; neighbors[i, j] = labels[j] == labels[i]
    # the torch loop returns inside the first iteration (ix == 0)
    ix = 0
    query = output[ix, :]
    retrievals = output[ix + 1:, :]  # cat(output[:0], output[1:])
    query_neighbors = neighbors[ix, ix + 1:]  # cat(qn[:0], qn[1:])
    h, H = _query_bin_counter(query, retrievals)
    h_plus, H_plus = _query_bin_counter(query, retrievals, weights=query_neighbors.astype(jnp.float32))
    query_n_plus = jnp.sum(neighbors[ix, :].astype(jnp.float32))
    loss = h_plus * H_plus / (H + EPS)
    loss = jnp.sum(loss, axis=0)
    loss = loss / query_n_plus
    return loss

if __name__ == "__main__":
    import jax
    _d = setup_inputs()
    print(jax.jit(kernel)(*tuple(_d.values())))

</pallas_src>

<mosaic_0001>
#map = affine_map<(d0, d1) -> (0)>
module attributes {stable_mosaic.version = 14 : i64} {
  func.func @_sc_body(%arg0: i32, %arg1: i32, %arg2: memref<8192xf32, #tpu.memory_space<hbm>>, %arg3: memref<8192xf32, #tpu.memory_space<hbm>>, %arg4: memref<16xf32, #tpu.memory_space<hbm>>, %arg5: memref<512xf32, #tpu.memory_space<vmem>>, %arg6: memref<512xf32, #tpu.memory_space<vmem>>, %arg7: memref<4096xf32, #tpu.memory_space<vmem>>, %arg8: memref<288xf32, #tpu.memory_space<vmem>>, %arg9: memref<16x288xf32, #tpu.memory_space<vmem>>, %arg10: memref<16x288xf32, #tpu.memory_space<vmem_shared>>) attributes {dimension_semantics = [#tpu.dimension_semantics<core_parallel>, #tpu.dimension_semantics<subcore_parallel>], iteration_bounds = array<i64: 1, 16>, scalar_prefetch = 0 : i64, scratch_operands = 6 : i64, tpu.core_type = #tpu.core_type<sc_vector_subcore>, window_params = [{transform_indices = #map}, {transform_indices = #map}, {transform_indices = #map}]} {
    %mul3A = arith.constant 512 : i32
    %mul3A_0 = arith.muli %arg1, %mul3A : i32
    "tpu.region"() ({
      %run_scoped3A = tpu.sem_alloc : memref<!tpu.dma_semaphore, #tpu.memory_space<semaphore_mem>>
      %dma_start3A = tpu.memref_slice %arg2[%mul3A_0] : memref<8192xf32, #tpu.memory_space<hbm>> -> memref<512xf32, #tpu.memory_space<hbm>>
      %dma_start3A_32 = tpu.memref_slice %arg2[%mul3A_0] : memref<8192xf32, #tpu.memory_space<hbm>> -> memref<512xf32, #tpu.memory_space<hbm>>
      tpu.enqueue_dma source(%dma_start3A_32 : memref<512xf32, #tpu.memory_space<hbm>>) target(%arg5 : memref<512xf32, #tpu.memory_space<vmem>>) target_semaphore(%run_scoped3A : memref<!tpu.dma_semaphore, #tpu.memory_space<semaphore_mem>>)
      %dma_wait3A = tpu.memref_slice %arg2[%mul3A_0] : memref<8192xf32, #tpu.memory_space<hbm>> -> memref<512xf32, #tpu.memory_space<hbm>>
      %dma_wait3A_33 = tpu.memref_slice %arg2[%mul3A_0] : memref<8192xf32, #tpu.memory_space<hbm>> -> memref<512xf32, #tpu.memory_space<hbm>>
      tpu.wait_dma2 semaphore(%run_scoped3A : memref<!tpu.dma_semaphore, #tpu.memory_space<semaphore_mem>>) src(%dma_wait3A_33 : memref<512xf32, #tpu.memory_space<hbm>>) dst(%arg5 : memref<512xf32, #tpu.memory_space<vmem>>)
      tpu.yield
    }) : () -> ()
    "tpu.region"() ({
      %run_scoped3A = tpu.sem_alloc : memref<!tpu.dma_semaphore, #tpu.memory_space<semaphore_mem>>
      %dma_start3A = tpu.memref_slice %arg3[%mul3A_0] : memref<8192xf32, #tpu.memory_space<hbm>> -> memref<512xf32, #tpu.memory_space<hbm>>
      %dma_start3A_32 = tpu.memref_slice %arg3[%mul3A_0] : memref<8192xf32, #tpu.memory_space<hbm>> -> memref<512xf32, #tpu.memory_space<hbm>>
      tpu.enqueue_dma source(%dma_start3A_32 : memref<512xf32, #tpu.memory_space<hbm>>) target(%arg6 : memref<512xf32, #tpu.memory_space<vmem>>) target_semaphore(%run_scoped3A : memref<!tpu.dma_semaphore, #tpu.memory_space<semaphore_mem>>)
      %dma_wait3A = tpu.memref_slice %arg3[%mul3A_0] : memref<8192xf32, #tpu.memory_space<hbm>> -> memref<512xf32, #tpu.memory_space<hbm>>
      %dma_wait3A_33 = tpu.memref_slice %arg3[%mul3A_0] : memref<8192xf32, #tpu.memory_space<hbm>> -> memref<512xf32, #tpu.memory_space<hbm>>
      tpu.wait_dma2 semaphore(%run_scoped3A : memref<!tpu.dma_semaphore, #tpu.memory_space<semaphore_mem>>) src(%dma_wait3A_33 : memref<512xf32, #tpu.memory_space<hbm>>) dst(%arg6 : memref<512xf32, #tpu.memory_space<vmem>>)
      tpu.yield
    }) : () -> ()
    %broadcast_in_dim3A = arith.constant 0.000000e+00 : f32
    %broadcast_in_dim3A_1 = vector.broadcast %broadcast_in_dim3A : f32 to vector<16xf32>
    %scan3A = arith.constant 0 : i32
    %scan3A_2 = arith.constant 0 : i32
    %scan3A_3 = arith.constant 256 : i32
    %scan3A_4 = arith.addi %scan3A_2, %scan3A_3 : i32
    %scan3A_5 = arith.constant 1 : i32
    scf.for %scan3A_32 = %scan3A_2 to %scan3A_4 step %scan3A_5  : i32 {
      %mul3A_33 = arith.constant 16 : i32
      %mul3A_34 = arith.muli %scan3A_32, %mul3A_33 : i32
      %swap3A_35 = arith.index_cast %mul3A_34 : i32 to index
      %swap3A_36 = tpu.vector_load %arg7[%swap3A_35] {strides = array<i32>} : memref<4096xf32, #tpu.memory_space<vmem>>, vector<16xf32>,
      tpu.vector_store %arg7[%swap3A_35], %broadcast_in_dim3A_1 {strides = array<i32>} : memref<4096xf32, #tpu.memory_space<vmem>>, vector<16xf32>,
    }
    %scan3A_6 = arith.constant 256 : i32
    %iota3A = tpu.iota {dimensions = array<i32: 0>} : vector<16xi32>
    %mul3A_7 = arith.constant 128 : i32
    %mul3A_8 = vector.broadcast %mul3A_7 : i32 to vector<16xi32>
    %mul3A_9 = arith.muli %iota3A, %mul3A_8 : vector<16xi32>
    %scan3A_10 = arith.constant 0 : i32
    %scan3A_11 = arith.constant 32 : i32
    %scan3A_12 = arith.addi %scan3A_10, %scan3A_11 : i32
    %scan3A_13 = arith.constant 1 : i32
    %scan3A_14 = scf.for %scan3A_32 = %scan3A_10 to %scan3A_12 step %scan3A_13 iter_args(%scan3A_33 = %broadcast_in_dim3A_1) -> (vector<16xf32>)  : i32 {
      %mul3A_34 = arith.constant 16 : i32
      %mul3A_35 = arith.muli %scan3A_32, %mul3A_34 : i32
      %get3A = arith.index_cast %mul3A_35 : i32 to index
      %get3A_36 = tpu.vector_load %arg5[%get3A] {strides = array<i32>} : memref<512xf32, #tpu.memory_space<vmem>>, vector<16xf32>,
      %mul3A_37 = arith.constant 16 : i32
      %mul3A_38 = arith.muli %scan3A_32, %mul3A_37 : i32
      %get3A_39 = arith.index_cast %mul3A_38 : i32 to index
      %get3A_40 = tpu.vector_load %arg6[%get3A_39] {strides = array<i32>} : memref<512xf32, #tpu.memory_space<vmem>>, vector<16xf32>,
      %mul3A_41 = arith.constant 16 : i32
      %mul3A_42 = arith.muli %scan3A_32, %mul3A_41 : i32
      %add3A = arith.addi %mul3A_0, %mul3A_42 : i32
      %add3A_43 = vector.broadcast %add3A : i32 to vector<16xi32>
      %add3A_44 = arith.addi %add3A_43, %iota3A : vector<16xi32>
      %add3A_45 = arith.constant 2.000000e+00 : f32
      %add3A_46 = vector.broadcast %add3A_45 : f32 to vector<16xf32>
      %add3A_47 = arith.addf %get3A_36, %add3A_46 : vector<16xf32>
      %mul3A_48 = arith.constant 2.500000e-01 : f32
      %mul3A_49 = vector.broadcast %mul3A_48 : f32 to vector<16xf32>
      %mul3A_50 = arith.mulf %add3A_47, %mul3A_49 : vector<16xf32>
      %convert_element_type3A_51 = arith.fptosi %mul3A_50 : vector<16xf32> to vector<16xi32>
      %convert_element_type3A_52 = arith.sitofp %convert_element_type3A_51 : vector<16xi32> to vector<16xf32>
      %sub3A = arith.subf %mul3A_50, %convert_element_type3A_52 : vector<16xf32>
      %sub3A_53 = arith.constant 1 : i32
      %sub3A_54 = vector.broadcast %sub3A_53 : i32 to vector<16xi32>
      %sub3A_55 = arith.subi %convert_element_type3A_51, %sub3A_54 : vector<16xi32>
      %sub3A_56 = arith.constant 1.000000e+00 : f32
      %sub3A_57 = vector.broadcast %sub3A_56 : f32 to vector<16xf32>
      %sub3A_58 = arith.subf %sub3A_57, %sub3A : vector<16xf32>
      %gt3A = arith.constant 0 : i32
      %gt3A_59 = vector.broadcast %gt3A : i32 to vector<16xi32>
      %gt3A_60 = arith.cmpi sgt, %add3A_44, %gt3A_59 : vector<16xi32>
      %ge3A = arith.constant 0 : i32
      %ge3A_61 = vector.broadcast %ge3A : i32 to vector<16xi32>
      %ge3A_62 = arith.cmpi sge, %sub3A_55, %ge3A_61 : vector<16xi32>
      %lt3A = arith.constant 128 : i32
      %lt3A_63 = vector.broadcast %lt3A : i32 to vector<16xi32>
      %lt3A_64 = arith.cmpi slt, %sub3A_55, %lt3A_63 : vector<16xi32>
      %and3A = arith.andi %ge3A_62, %lt3A_64 : vector<16xi1>
      %and3A_65 = arith.andi %and3A, %gt3A_60 : vector<16xi1>
      %ge3A_66 = arith.constant 0 : i32
      %ge3A_67 = vector.broadcast %ge3A_66 : i32 to vector<16xi32>
      %ge3A_68 = arith.cmpi sge, %convert_element_type3A_51, %ge3A_67 : vector<16xi32>
      %lt3A_69 = arith.constant 128 : i32
      %lt3A_70 = vector.broadcast %lt3A_69 : i32 to vector<16xi32>
      %lt3A_71 = arith.cmpi slt, %convert_element_type3A_51, %lt3A_70 : vector<16xi32>
      %and3A_72 = arith.andi %ge3A_68, %lt3A_71 : vector<16xi1>
      %and3A_73 = arith.andi %and3A_72, %gt3A_60 : vector<16xi1>
      %jit3A = arith.constant 0.000000e+00 : f32
      %broadcast_in_dim3A_74 = vector.broadcast %jit3A : f32 to vector<16xf32>
      %select_n3A = arith.select %and3A_65, %sub3A_58, %broadcast_in_dim3A_74 : vector<16xi1>, vector<16xf32>
      %jit3A_75 = arith.constant 0.000000e+00 : f32
      %broadcast_in_dim3A_76 = vector.broadcast %jit3A_75 : f32 to vector<16xf32>
      %select_n3A_77 = arith.select %and3A_73, %sub3A, %broadcast_in_dim3A_76 : vector<16xi1>, vector<16xf32>
      %jit3A_78 = arith.constant 0 : i32
      %jit3A_79 = arith.constant 127 : i32
      %max3A = vector.broadcast %jit3A_78 : i32 to vector<16xi32>
      %max3A_80 = arith.maxsi %max3A, %sub3A_55 : vector<16xi32>
      %min3A = vector.broadcast %jit3A_79 : i32 to vector<16xi32>
      %min3A_81 = arith.minsi %min3A, %max3A_80 : vector<16xi32>
      %add3A_82 = arith.addi %min3A_81, %mul3A_9 : vector<16xi32>
      %jit3A_83 = arith.constant 0 : i32
      %jit3A_84 = arith.constant 127 : i32
      %max3A_85 = vector.broadcast %jit3A_83 : i32 to vector<16xi32>
      %max3A_86 = arith.maxsi %max3A_85, %convert_element_type3A_51 : vector<16xi32>
      %min3A_87 = vector.broadcast %jit3A_84 : i32 to vector<16xi32>
      %min3A_88 = arith.minsi %min3A_87, %max3A_86 : vector<16xi32>
      %add3A_89 = arith.addi %min3A_88, %mul3A_9 : vector<16xi32>
      tpu.vector_store_idx %arg7[%add3A_82], %select_n3A {add = true} : memref<4096xf32, #tpu.memory_space<vmem>>[vector<16xi32>], vector<16xf32>,
      tpu.vector_store_idx %arg7[%add3A_89], %select_n3A_77 {add = true} : memref<4096xf32, #tpu.memory_space<vmem>>[vector<16xi32>], vector<16xf32>,
      %add3A_90 = arith.constant 2048 : i32
      %add3A_91 = vector.broadcast %add3A_90 : i32 to vector<16xi32>
      %add3A_92 = arith.addi %add3A_82, %add3A_91 : vector<16xi32>
      %mul3A_93 = arith.mulf %select_n3A, %get3A_40 : vector<16xf32>
      tpu.vector_store_idx %arg7[%add3A_92], %mul3A_93 {add = true} : memref<4096xf32, #tpu.memory_space<vmem>>[vector<16xi32>], vector<16xf32>,
      %add3A_94 = arith.constant 2048 : i32
      %add3A_95 = vector.broadcast %add3A_94 : i32 to vector<16xi32>
      %add3A_96 = arith.addi %add3A_89, %add3A_95 : vector<16xi32>
      %mul3A_97 = arith.mulf %select_n3A_77, %get3A_40 : vector<16xf32>
      tpu.vector_store_idx %arg7[%add3A_96], %mul3A_97 {add = true} : memref<4096xf32, #tpu.memory_space<vmem>>[vector<16xi32>], vector<16xf32>,
      %add3A_98 = arith.addf %scan3A_33, %get3A_40 : vector<16xf32>
      scf.yield %add3A_98 : vector<16xf32>
    }
    %scan3A_15 = arith.constant 32 : i32
    %reduce_sum3A = arith.constant true
    %reduce_sum3A_16 = vector.broadcast %reduce_sum3A : i1 to vector<16xi1>
    %reduce_sum3A_17 = tpu.scan <sum>, %scan3A_14 masked %reduce_sum3A_16 : vector<16xf32>, vector<16xi1> -> vector<16xf32>
    %reduce_sum3A_18 = vector.extract %reduce_sum3A_17[15] : f32 from vector<16xf32>
    %broadcast_in_dim3A_19 = vector.broadcast %reduce_sum3A_18 : f32 to vector<16xf32>
    %swap3A = arith.constant 256 : index
    %swap3A_20 = tpu.vector_load %arg8[%swap3A] {strides = array<i32>} : memref<288xf32, #tpu.memory_space<vmem>>, vector<16xf32>,
    tpu.vector_store %arg8[%swap3A], %broadcast_in_dim3A_19 {strides = array<i32>} : memref<288xf32, #tpu.memory_space<vmem>>, vector<16xf32>,
    %swap3A_21 = arith.constant 272 : index
    %swap3A_22 = tpu.vector_load %arg8[%swap3A_21] {strides = array<i32>} : memref<288xf32, #tpu.memory_space<vmem>>, vector<16xf32>,
    tpu.vector_store %arg8[%swap3A_21], %broadcast_in_dim3A_1 {strides = array<i32>} : memref<288xf32, #tpu.memory_space<vmem>>, vector<16xf32>,
    %barrier3A = arith.constant 0 : index
    tpu.barrier barrier_id(%barrier3A)
    %delay3A = arith.constant 500 : i32
    tpu.delay %delay3A
    %scan3A_23 = arith.constant 0 : i32
    %scan3A_24 = arith.constant 0 : i32
    %scan3A_25 = arith.constant 8 : i32
    %scan3A_26 = arith.addi %scan3A_24, %scan3A_25 : i32
    %scan3A_27 = arith.constant 1 : i32
    scf.for %scan3A_32 = %scan3A_24 to %scan3A_26 step %scan3A_27  : i32 {
      %scan3A_33 = arith.constant 0 : i32
      %scan3A_34 = arith.constant 16 : i32
      %scan3A_35 = arith.addi %scan3A_33, %scan3A_34 : i32
      %scan3A_36 = arith.constant 1 : i32
      %scan3A_37 = scf.for %scan3A_54 = %scan3A_33 to %scan3A_35 step %scan3A_36 iter_args(%scan3A_55 = %broadcast_in_dim3A_1) -> (vector<16xf32>)  : i32 {
        %mul3A_56 = arith.constant 128 : i32
        %mul3A_57 = arith.muli %scan3A_54, %mul3A_56 : i32
        %mul3A_58 = arith.constant 16 : i32
        %mul3A_59 = arith.muli %scan3A_32, %mul3A_58 : i32
        %add3A_60 = arith.addi %mul3A_57, %mul3A_59 : i32
        %get3A = arith.index_cast %add3A_60 : i32 to index
        %get3A_61 = tpu.vector_load %arg7[%get3A] {strides = array<i32>} : memref<4096xf32, #tpu.memory_space<vmem>>, vector<16xf32>,
        %add3A_62 = arith.addf %scan3A_55, %get3A_61 : vector<16xf32>
        scf.yield %add3A_62 : vector<16xf32>
      }
      %scan3A_38 = arith.constant 16 : i32
      %scan3A_39 = arith.constant 0 : i32
      %scan3A_40 = arith.constant 16 : i32
      %scan3A_41 = arith.addi %scan3A_39, %scan3A_40 : i32
      %scan3A_42 = arith.constant 1 : i32
      %scan3A_43 = scf.for %scan3A_54 = %scan3A_39 to %scan3A_41 step %scan3A_42 iter_args(%scan3A_55 = %broadcast_in_dim3A_1) -> (vector<16xf32>)  : i32 {
        %mul3A_56 = arith.constant 128 : i32
        %mul3A_57 = arith.muli %scan3A_54, %mul3A_56 : i32
        %add3A_58 = arith.constant 2048 : i32
        %add3A_59 = arith.addi %add3A_58, %mul3A_57 : i32
        %mul3A_60 = arith.constant 16 : i32
        %mul3A_61 = arith.muli %scan3A_32, %mul3A_60 : i32
        %add3A_62 = arith.addi %add3A_59, %mul3A_61 : i32
        %get3A = arith.index_cast %add3A_62 : i32 to index
        %get3A_63 = tpu.vector_load %arg7[%get3A] {strides = array<i32>} : memref<4096xf32, #tpu.memory_space<vmem>>, vector<16xf32>,
        %add3A_64 = arith.addf %scan3A_55, %get3A_63 : vector<16xf32>
        scf.yield %add3A_64 : vector<16xf32>
      }
      %scan3A_44 = arith.constant 16 : i32
      %mul3A_45 = arith.constant 16 : i32
      %mul3A_46 = arith.muli %scan3A_32, %mul3A_45 : i32
      %swap3A_47 = arith.index_cast %mul3A_46 : i32 to index
      %swap3A_48 = tpu.vector_load %arg8[%swap3A_47] {strides = array<i32>} : memref<288xf32, #tpu.memory_space<vmem>>, vector<16xf32>,
      tpu.vector_store %arg8[%swap3A_47], %scan3A_37 {strides = array<i32>} : memref<288xf32, #tpu.memory_space<vmem>>, vector<16xf32>,
      %mul3A_49 = arith.constant 16 : i32
      %mul3A_50 = arith.muli %scan3A_32, %mul3A_49 : i32
      %add3A = arith.constant 128 : i32
      %add3A_51 = arith.addi %add3A, %mul3A_50 : i32
      %swap3A_52 = arith.index_cast %add3A_51 : i32 to index
      %swap3A_53 = tpu.vector_load %arg8[%swap3A_52] {strides = array<i32>} : memref<288xf32, #tpu.memory_space<vmem>>, vector<16xf32>,
      tpu.vector_store %arg8[%swap3A_52], %scan3A_43 {strides = array<i32>} : memref<288xf32, #tpu.memory_space<vmem>>, vector<16xf32>,
    }
    %scan3A_28 = arith.constant 8 : i32
    "tpu.region"() ({
      %run_scoped3A = tpu.sem_alloc : memref<!tpu.dma_semaphore, #tpu.memory_space<semaphore_mem>>
      %dma_start3A = arith.constant 0 : i32
      %dma_start3A_32 = tpu.memref_slice %arg10[%arg1, %dma_start3A] : memref<16x288xf32, #tpu.memory_space<vmem_shared>> -> memref<1x288xf32, #tpu.memory_space<vmem_shared>>
      %dma_start3A_33 = tpu.memref_squeeze %dma_start3A_32 : memref<1x288xf32, #tpu.memory_space<vmem_shared>> -> memref<288xf32, #tpu.memory_space<vmem_shared>>
      %dma_start3A_34 = arith.constant 0 : i32
      %dma_start3A_35 = tpu.memref_slice %arg10[%arg1, %dma_start3A_34] : memref<16x288xf32, #tpu.memory_space<vmem_shared>> -> memref<1x288xf32, #tpu.memory_space<vmem_shared>>
      %dma_start3A_36 = tpu.memref_squeeze %dma_start3A_35 : memref<1x288xf32, #tpu.memory_space<vmem_shared>> -> memref<288xf32, #tpu.memory_space<vmem_shared>>
      tpu.enqueue_dma source(%arg8 : memref<288xf32, #tpu.memory_space<vmem>>) target(%dma_start3A_36 : memref<288xf32, #tpu.memory_space<vmem_shared>>) target_semaphore(%run_scoped3A : memref<!tpu.dma_semaphore, #tpu.memory_space<semaphore_mem>>)
      %dma_wait3A = arith.constant 0 : i32
      %dma_wait3A_37 = tpu.memref_slice %arg10[%arg1, %dma_wait3A] : memref<16x288xf32, #tpu.memory_space<vmem_shared>> -> memref<1x288xf32, #tpu.memory_space<vmem_shared>>
      %dma_wait3A_38 = tpu.memref_squeeze %dma_wait3A_37 : memref<1x288xf32, #tpu.memory_space<vmem_shared>> -> memref<288xf32, #tpu.memory_space<vmem_shared>>
      %dma_wait3A_39 = arith.constant 0 : i32
      %dma_wait3A_40 = tpu.memref_slice %arg10[%arg1, %dma_wait3A_39] : memref<16x288xf32, #tpu.memory_space<vmem_shared>> -> memref<1x288xf32, #tpu.memory_space<vmem_shared>>
      %dma_wait3A_41 = tpu.memref_squeeze %dma_wait3A_40 : memref<1x288xf32, #tpu.memory_space<vmem_shared>> -> memref<288xf32, #tpu.memory_space<vmem_shared>>
      tpu.wait_dma2 semaphore(%run_scoped3A : memref<!tpu.dma_semaphore, #tpu.memory_space<semaphore_mem>>) src(%arg8 : memref<288xf32, #tpu.memory_space<vmem>>) dst(%dma_wait3A_41 : memref<288xf32, #tpu.memory_space<vmem_shared>>)
      tpu.yield
    }) : () -> ()
    %barrier3A_29 = arith.constant 0 : index
    tpu.barrier barrier_id(%barrier3A_29)
    %eq3A = arith.constant 0 : i32
    %eq3A_30 = arith.cmpi eq, %arg1, %eq3A : i32
    %convert_element_type3A = arith.extui %eq3A_30 : i1 to i32
    %cond3A = arith.constant 0 : i32
    %cond3A_31 = arith.cmpi ne, %convert_element_type3A, %cond3A : i32
    scf.if %cond3A_31 {
      "tpu.region"() ({
        %run_scoped3A = tpu.sem_alloc : memref<!tpu.dma_semaphore, #tpu.memory_space<semaphore_mem>>
        tpu.enqueue_dma source(%arg10 : memref<16x288xf32, #tpu.memory_space<vmem_shared>>) target(%arg9 : memref<16x288xf32, #tpu.memory_space<vmem>>) target_semaphore(%run_scoped3A : memref<!tpu.dma_semaphore, #tpu.memory_space<semaphore_mem>>)
        tpu.wait_dma2 semaphore(%run_scoped3A : memref<!tpu.dma_semaphore, #tpu.memory_space<semaphore_mem>>) src(%arg10 : memref<16x288xf32, #tpu.memory_space<vmem_shared>>) dst(%arg9 : memref<16x288xf32, #tpu.memory_space<vmem>>)
        tpu.yield
      }) : () -> ()
      %scan3A_32 = arith.constant 0 : i32
      %scan3A_33 = arith.constant 16 : i32
      %scan3A_34 = arith.addi %scan3A_32, %scan3A_33 : i32
      %scan3A_35 = arith.constant 1 : i32
      %scan3A_36 = scf.for %scan3A_351 = %scan3A_32 to %scan3A_34 step %scan3A_35 iter_args(%scan3A_352 = %broadcast_in_dim3A_1) -> (vector<16xf32>)  : i32 {
        %get3A = arith.index_cast %scan3A_351 : i32 to index
        %get3A_353 = arith.constant 0 : index
        %get3A_354 = tpu.vector_load %arg9[%get3A, %get3A_353] {strides = array<i32>} : memref<16x288xf32, #tpu.memory_space<vmem>>, vector<16xf32>,
        %add3A_355 = arith.addf %scan3A_352, %get3A_354 : vector<16xf32>
        scf.yield %add3A_355 : vector<16xf32>
      }
      %scan3A_37 = arith.constant 16 : i32
      %scan3A_38 = arith.constant 0 : i32
      %scan3A_39 = arith.constant 16 : i32
      %scan3A_40 = arith.addi %scan3A_38, %scan3A_39 : i32
      %scan3A_41 = arith.constant 1 : i32
      %scan3A_42 = scf.for %scan3A_351 = %scan3A_38 to %scan3A_40 step %scan3A_41 iter_args(%scan3A_352 = %broadcast_in_dim3A_1) -> (vector<16xf32>)  : i32 {
        %get3A = arith.index_cast %scan3A_351 : i32 to index
        %get3A_353 = arith.constant 128 : index
        %get3A_354 = tpu.vector_load %arg9[%get3A, %get3A_353] {strides = array<i32>} : memref<16x288xf32, #tpu.memory_space<vmem>>, vector<16xf32>,
        %add3A_355 = arith.addf %scan3A_352, %get3A_354 : vector<16xf32>
        scf.yield %add3A_355 : vector<16xf32>
      }
      %scan3A_43 = arith.constant 16 : i32
      %broadcast_in_dim3A_44 = arith.constant true
      %broadcast_in_dim3A_45 = vector.broadcast %broadcast_in_dim3A_44 : i1 to vector<16xi1>
      %masked_cumsum3A = tpu.scan <sum>, %scan3A_36 masked %broadcast_in_dim3A_45 : vector<16xf32>, vector<16xi1> -> vector<16xf32>
      %add3A = arith.constant 0.000000e+00 : f32
      %add3A_46 = vector.broadcast %add3A : f32 to vector<16xf32>
      %add3A_47 = arith.addf %masked_cumsum3A, %add3A_46 : vector<16xf32>
      %broadcast_in_dim3A_48 = arith.constant true
      %broadcast_in_dim3A_49 = vector.broadcast %broadcast_in_dim3A_48 : i1 to vector<16xi1>
      %masked_cumsum3A_50 = tpu.scan <sum>, %scan3A_42 masked %broadcast_in_dim3A_49 : vector<16xf32>, vector<16xi1> -> vector<16xf32>
      %add3A_51 = arith.constant 0.000000e+00 : f32
      %add3A_52 = vector.broadcast %add3A_51 : f32 to vector<16xf32>
      %add3A_53 = arith.addf %masked_cumsum3A_50, %add3A_52 : vector<16xf32>
      %reduce_sum3A_54 = arith.constant true
      %reduce_sum3A_55 = vector.broadcast %reduce_sum3A_54 : i1 to vector<16xi1>
      %reduce_sum3A_56 = tpu.scan <sum>, %scan3A_36 masked %reduce_sum3A_55 : vector<16xf32>, vector<16xi1> -> vector<16xf32>
      %reduce_sum3A_57 = vector.extract %reduce_sum3A_56[15] : f32 from vector<16xf32>
      %add3A_58 = arith.constant 0.000000e+00 : f32
      %add3A_59 = arith.addf %add3A_58, %reduce_sum3A_57 : f32
      %reduce_sum3A_60 = arith.constant true
      %reduce_sum3A_61 = vector.broadcast %reduce_sum3A_60 : i1 to vector<16xi1>
      %reduce_sum3A_62 = tpu.scan <sum>, %scan3A_42 masked %reduce_sum3A_61 : vector<16xf32>, vector<16xi1> -> vector<16xf32>
      %reduce_sum3A_63 = vector.extract %reduce_sum3A_62[15] : f32 from vector<16xf32>
      %add3A_64 = arith.constant 0.000000e+00 : f32
      %add3A_65 = arith.addf %add3A_64, %reduce_sum3A_63 : f32
      %mul3A_66 = arith.mulf %scan3A_42, %add3A_53 : vector<16xf32>
      %add3A_67 = arith.constant 1.000000e-07 : f32
      %add3A_68 = vector.broadcast %add3A_67 : f32 to vector<16xf32>
      %add3A_69 = arith.addf %add3A_47, %add3A_68 : vector<16xf32>
      %div3A = arith.divf %mul3A_66, %add3A_69 : vector<16xf32>
      %add3A_70 = arith.addf %broadcast_in_dim3A_1, %div3A : vector<16xf32>
      %scan3A_71 = arith.constant 0 : i32
      %scan3A_72 = arith.constant 16 : i32
      %scan3A_73 = arith.addi %scan3A_71, %scan3A_72 : i32
      %scan3A_74 = arith.constant 1 : i32
      %scan3A_75 = scf.for %scan3A_351 = %scan3A_71 to %scan3A_73 step %scan3A_74 iter_args(%scan3A_352 = %broadcast_in_dim3A_1) -> (vector<16xf32>)  : i32 {
        %get3A = arith.index_cast %scan3A_351 : i32 to index
        %get3A_353 = arith.constant 16 : index
        %get3A_354 = tpu.vector_load %arg9[%get3A, %get3A_353] {strides = array<i32>} : memref<16x288xf32, #tpu.memory_space<vmem>>, vector<16xf32>,
        %add3A_355 = arith.addf %scan3A_352, %get3A_354 : vector<16xf32>
        scf.yield %add3A_355 : vector<16xf32>
      }
      %scan3A_76 = arith.constant 16 : i32
      %scan3A_77 = arith.constant 0 : i32
      %scan3A_78 = arith.constant 16 : i32
      %scan3A_79 = arith.addi %scan3A_77, %scan3A_78 : i32
      %scan3A_80 = arith.constant 1 : i32
      %scan3A_81 = scf.for %scan3A_351 = %scan3A_77 to %scan3A_79 step %scan3A_80 iter_args(%scan3A_352 = %broadcast_in_dim3A_1) -> (vector<16xf32>)  : i32 {
        %get3A = arith.index_cast %scan3A_351 : i32 to index
        %get3A_353 = arith.constant 144 : index
        %get3A_354 = tpu.vector_load %arg9[%get3A, %get3A_353] {strides = array<i32>} : memref<16x288xf32, #tpu.memory_space<vmem>>, vector<16xf32>,
        %add3A_355 = arith.addf %scan3A_352, %get3A_354 : vector<16xf32>
        scf.yield %add3A_355 : vector<16xf32>
      }
      %scan3A_82 = arith.constant 16 : i32
      %broadcast_in_dim3A_83 = arith.constant true
      %broadcast_in_dim3A_84 = vector.broadcast %broadcast_in_dim3A_83 : i1 to vector<16xi1>
      %masked_cumsum3A_85 = tpu.scan <sum>, %scan3A_75 masked %broadcast_in_dim3A_84 : vector<16xf32>, vector<16xi1> -> vector<16xf32>
      %add3A_86 = vector.broadcast %add3A_59 : f32 to vector<16xf32>
      %add3A_87 = arith.addf %masked_cumsum3A_85, %add3A_86 : vector<16xf32>
      %broadcast_in_dim3A_88 = arith.constant true
      %broadcast_in_dim3A_89 = vector.broadcast %broadcast_in_dim3A_88 : i1 to vector<16xi1>
      %masked_cumsum3A_90 = tpu.scan <sum>, %scan3A_81 masked %broadcast_in_dim3A_89 : vector<16xf32>, vector<16xi1> -> vector<16xf32>
      %add3A_91 = vector.broadcast %add3A_65 : f32 to vector<16xf32>
      %add3A_92 = arith.addf %masked_cumsum3A_90, %add3A_91 : vector<16xf32>
      %reduce_sum3A_93 = arith.constant true
      %reduce_sum3A_94 = vector.broadcast %reduce_sum3A_93 : i1 to vector<16xi1>
      %reduce_sum3A_95 = tpu.scan <sum>, %scan3A_75 masked %reduce_sum3A_94 : vector<16xf32>, vector<16xi1> -> vector<16xf32>
      %reduce_sum3A_96 = vector.extract %reduce_sum3A_95[15] : f32 from vector<16xf32>
      %add3A_97 = arith.addf %add3A_59, %reduce_sum3A_96 : f32
      %reduce_sum3A_98 = arith.constant true
      %reduce_sum3A_99 = vector.broadcast %reduce_sum3A_98 : i1 to vector<16xi1>
      %reduce_sum3A_100 = tpu.scan <sum>, %scan3A_81 masked %reduce_sum3A_99 : vector<16xf32>, vector<16xi1> -> vector<16xf32>
      %reduce_sum3A_101 = vector.extract %reduce_sum3A_100[15] : f32 from vector<16xf32>
      %add3A_102 = arith.addf %add3A_65, %reduce_sum3A_101 : f32
      %mul3A_103 = arith.mulf %scan3A_81, %add3A_92 : vector<16xf32>
      %add3A_104 = arith.constant 1.000000e-07 : f32
      %add3A_105 = vector.broadcast %add3A_104 : f32 to vector<16xf32>
      %add3A_106 = arith.addf %add3A_87, %add3A_105 : vector<16xf32>
      %div3A_107 = arith.divf %mul3A_103, %add3A_106 : vector<16xf32>
      %add3A_108 = arith.addf %add3A_70, %div3A_107 : vector<16xf32>
      %scan3A_109 = arith.constant 0 : i32
      %scan3A_110 = arith.constant 16 : i32
      %scan3A_111 = arith.addi %scan3A_109, %scan3A_110 : i32
      %scan3A_112 = arith.constant 1 : i32
      %scan3A_113 = scf.for %scan3A_351 = %scan3A_109 to %scan3A_111 step %scan3A_112 iter_args(%scan3A_352 = %broadcast_in_dim3A_1) -> (vector<16xf32>)  : i32 {
        %get3A = arith.index_cast %scan3A_351 : i32 to index
        %get3A_353 = arith.constant 32 : index
        %get3A_354 = tpu.vector_load %arg9[%get3A, %get3A_353] {strides = array<i32>} : memref<16x288xf32, #tpu.memory_space<vmem>>, vector<16xf32>,
        %add3A_355 = arith.addf %scan3A_352, %get3A_354 : vector<16xf32>
        scf.yield %add3A_355 : vector<16xf32>
      }
      %scan3A_114 = arith.constant 16 : i32
      %scan3A_115 = arith.constant 0 : i32
      %scan3A_116 = arith.constant 16 : i32
      %scan3A_117 = arith.addi %scan3A_115, %scan3A_116 : i32
      %scan3A_118 = arith.constant 1 : i32
      %scan3A_119 = scf.for %scan3A_351 = %scan3A_115 to %scan3A_117 step %scan3A_118 iter_args(%scan3A_352 = %broadcast_in_dim3A_1) -> (vector<16xf32>)  : i32 {
        %get3A = arith.index_cast %scan3A_351 : i32 to index
        %get3A_353 = arith.constant 160 : index
        %get3A_354 = tpu.vector_load %arg9[%get3A, %get3A_353] {strides = array<i32>} : memref<16x288xf32, #tpu.memory_space<vmem>>, vector<16xf32>,
        %add3A_355 = arith.addf %scan3A_352, %get3A_354 : vector<16xf32>
        scf.yield %add3A_355 : vector<16xf32>
      }
      %scan3A_120 = arith.constant 16 : i32
      %broadcast_in_dim3A_121 = arith.constant true
      %broadcast_in_dim3A_122 = vector.broadcast %broadcast_in_dim3A_121 : i1 to vector<16xi1>
      %masked_cumsum3A_123 = tpu.scan <sum>, %scan3A_113 masked %broadcast_in_dim3A_122 : vector<16xf32>, vector<16xi1> -> vector<16xf32>
      %add3A_124 = vector.broadcast %add3A_97 : f32 to vector<16xf32>
      %add3A_125 = arith.addf %masked_cumsum3A_123, %add3A_124 : vector<16xf32>
      %broadcast_in_dim3A_126 = arith.constant true
      %broadcast_in_dim3A_127 = vector.broadcast %broadcast_in_dim3A_126 : i1 to vector<16xi1>
      %masked_cumsum3A_128 = tpu.scan <sum>, %scan3A_119 masked %broadcast_in_dim3A_127 : vector<16xf32>, vector<16xi1> -> vector<16xf32>
      %add3A_129 = vector.broadcast %add3A_102 : f32 to vector<16xf32>
      %add3A_130 = arith.addf %masked_cumsum3A_128, %add3A_129 : vector<16xf32>
      %reduce_sum3A_131 = arith.constant true
      %reduce_sum3A_132 = vector.broadcast %reduce_sum3A_131 : i1 to vector<16xi1>
      %reduce_sum3A_133 = tpu.scan <sum>, %scan3A_113 masked %reduce_sum3A_132 : vector<16xf32>, vector<16xi1> -> vector<16xf32>
      %reduce_sum3A_134 = vector.extract %reduce_sum3A_133[15] : f32 from vector<16xf32>
      %add3A_135 = arith.addf %add3A_97, %reduce_sum3A_134 : f32
      %reduce_sum3A_136 = arith.constant true
      %reduce_sum3A_137 = vector.broadcast %reduce_sum3A_136 : i1 to vector<16xi1>
      %reduce_sum3A_138 = tpu.scan <sum>, %scan3A_119 masked %reduce_sum3A_137 : vector<16xf32>, vector<16xi1> -> vector<16xf32>
      %reduce_sum3A_139 = vector.extract %reduce_sum3A_138[15] : f32 from vector<16xf32>
      %add3A_140 = arith.addf %add3A_102, %reduce_sum3A_139 : f32
      %mul3A_141 = arith.mulf %scan3A_119, %add3A_130 : vector<16xf32>
      %add3A_142 = arith.constant 1.000000e-07 : f32
      %add3A_143 = vector.broadcast %add3A_142 : f32 to vector<16xf32>
      %add3A_144 = arith.addf %add3A_125, %add3A_143 : vector<16xf32>
      %div3A_145 = arith.divf %mul3A_141, %add3A_144 : vector<16xf32>
      %add3A_146 = arith.addf %add3A_108, %div3A_145 : vector<16xf32>
      %scan3A_147 = arith.constant 0 : i32
      %scan3A_148 = arith.constant 16 : i32
      %scan3A_149 = arith.addi %scan3A_147, %scan3A_148 : i32
      %scan3A_150 = arith.constant 1 : i32
      %scan3A_151 = scf.for %scan3A_351 = %scan3A_147 to %scan3A_149 step %scan3A_150 iter_args(%scan3A_352 = %broadcast_in_dim3A_1) -> (vector<16xf32>)  : i32 {
        %get3A = arith.index_cast %scan3A_351 : i32 to index
        %get3A_353 = arith.constant 48 : index
        %get3A_354 = tpu.vector_load %arg9[%get3A, %get3A_353] {strides = array<i32>} : memref<16x288xf32, #tpu.memory_space<vmem>>, vector<16xf32>,
        %add3A_355 = arith.addf %scan3A_352, %get3A_354 : vector<16xf32>
        scf.yield %add3A_355 : vector<16xf32>
      }
      %scan3A_152 = arith.constant 16 : i32
      %scan3A_153 = arith.constant 0 : i32
      %scan3A_154 = arith.constant 16 : i32
      %scan3A_155 = arith.addi %scan3A_153, %scan3A_154 : i32
      %scan3A_156 = arith.constant 1 : i32
      %scan3A_157 = scf.for %scan3A_351 = %scan3A_153 to %scan3A_155 step %scan3A_156 iter_args(%scan3A_352 = %broadcast_in_dim3A_1) -> (vector<16xf32>)  : i32 {
        %get3A = arith.index_cast %scan3A_351 : i32 to index
        %get3A_353 = arith.constant 176 : index
        %get3A_354 = tpu.vector_load %arg9[%get3A, %get3A_353] {strides = array<i32>} : memref<16x288xf32, #tpu.memory_space<vmem>>, vector<16xf32>,
        %add3A_355 = arith.addf %scan3A_352, %get3A_354 : vector<16xf32>
        scf.yield %add3A_355 : vector<16xf32>
      }
      %scan3A_158 = arith.constant 16 : i32
      %broadcast_in_dim3A_159 = arith.constant true
      %broadcast_in_dim3A_160 = vector.broadcast %broadcast_in_dim3A_159 : i1 to vector<16xi1>
      %masked_cumsum3A_161 = tpu.scan <sum>, %scan3A_151 masked %broadcast_in_dim3A_160 : vector<16xf32>, vector<16xi1> -> vector<16xf32>
      %add3A_162 = vector.broadcast %add3A_135 : f32 to vector<16xf32>
      %add3A_163 = arith.addf %masked_cumsum3A_161, %add3A_162 : vector<16xf32>
      %broadcast_in_dim3A_164 = arith.constant true
      %broadcast_in_dim3A_165 = vector.broadcast %broadcast_in_dim3A_164 : i1 to vector<16xi1>
      %masked_cumsum3A_166 = tpu.scan <sum>, %scan3A_157 masked %broadcast_in_dim3A_165 : vector<16xf32>, vector<16xi1> -> vector<16xf32>
      %add3A_167 = vector.broadcast %add3A_140 : f32 to vector<16xf32>
      %add3A_168 = arith.addf %masked_cumsum3A_166, %add3A_167 : vector<16xf32>
      %reduce_sum3A_169 = arith.constant true
      %reduce_sum3A_170 = vector.broadcast %reduce_sum3A_169 : i1 to vector<16xi1>
      %reduce_sum3A_171 = tpu.scan <sum>, %scan3A_151 masked %reduce_sum3A_170 : vector<16xf32>, vector<16xi1> -> vector<16xf32>
      %reduce_sum3A_172 = vector.extract %reduce_sum3A_171[15] : f32 from vector<16xf32>
      %add3A_173 = arith.addf %add3A_135, %reduce_sum3A_172 : f32
      %reduce_sum3A_174 = arith.constant true
      %reduce_sum3A_175 = vector.broadcast %reduce_sum3A_174 : i1 to vector<16xi1>
      %reduce_sum3A_176 = tpu.scan <sum>, %scan3A_157 masked %reduce_sum3A_175 : vector<16xf32>, vector<16xi1> -> vector<16xf32>
      %reduce_sum3A_177 = vector.extract %reduce_sum3A_176[15] : f32 from vector<16xf32>
      %add3A_178 = arith.addf %add3A_140, %reduce_sum3A_177 : f32
      %mul3A_179 = arith.mulf %scan3A_157, %add3A_168 : vector<16xf32>
      %add3A_180 = arith.constant 1.000000e-07 : f32
      %add3A_181 = vector.broadcast %add3A_180 : f32 to vector<16xf32>
      %add3A_182 = arith.addf %add3A_163, %add3A_181 : vector<16xf32>
      %div3A_183 = arith.divf %mul3A_179, %add3A_182 : vector<16xf32>
      %add3A_184 = arith.addf %add3A_146, %div3A_183 : vector<16xf32>
      %scan3A_185 = arith.constant 0 : i32
      %scan3A_186 = arith.constant 16 : i32
      %scan3A_187 = arith.addi %scan3A_185, %scan3A_186 : i32
      %scan3A_188 = arith.constant 1 : i32
      %scan3A_189 = scf.for %scan3A_351 = %scan3A_185 to %scan3A_187 step %scan3A_188 iter_args(%scan3A_352 = %broadcast_in_dim3A_1) -> (vector<16xf32>)  : i32 {
        %get3A = arith.index_cast %scan3A_351 : i32 to index
        %get3A_353 = arith.constant 64 : index
        %get3A_354 = tpu.vector_load %arg9[%get3A, %get3A_353] {strides = array<i32>} : memref<16x288xf32, #tpu.memory_space<vmem>>, vector<16xf32>,
        %add3A_355 = arith.addf %scan3A_352, %get3A_354 : vector<16xf32>
        scf.yield %add3A_355 : vector<16xf32>
      }
      %scan3A_190 = arith.constant 16 : i32
      %scan3A_191 = arith.constant 0 : i32
      %scan3A_192 = arith.constant 16 : i32
      %scan3A_193 = arith.addi %scan3A_191, %scan3A_192 : i32
      %scan3A_194 = arith.constant 1 : i32
      %scan3A_195 = scf.for %scan3A_351 = %scan3A_191 to %scan3A_193 step %scan3A_194 iter_args(%scan3A_352 = %broadcast_in_dim3A_1) -> (vector<16xf32>)  : i32 {
        %get3A = arith.index_cast %scan3A_351 : i32 to index
        %get3A_353 = arith.constant 192 : index
        %get3A_354 = tpu.vector_load %arg9[%get3A, %get3A_353] {strides = array<i32>} : memref<16x288xf32, #tpu.memory_space<vmem>>, vector<16xf32>,
        %add3A_355 = arith.addf %scan3A_352, %get3A_354 : vector<16xf32>
        scf.yield %add3A_355 : vector<16xf32>
      }
      %scan3A_196 = arith.constant 16 : i32
      %broadcast_in_dim3A_197 = arith.constant true
      %broadcast_in_dim3A_198 = vector.broadcast %broadcast_in_dim3A_197 : i1 to vector<16xi1>
      %masked_cumsum3A_199 = tpu.scan <sum>, %scan3A_189 masked %broadcast_in_dim3A_198 : vector<16xf32>, vector<16xi1> -> vector<16xf32>
      %add3A_200 = vector.broadcast %add3A_173 : f32 to vector<16xf32>
      %add3A_201 = arith.addf %masked_cumsum3A_199, %add3A_200 : vector<16xf32>
      %broadcast_in_dim3A_202 = arith.constant true
      %broadcast_in_dim3A_203 = vector.broadcast %broadcast_in_dim3A_202 : i1 to vector<16xi1>
      %masked_cumsum3A_204 = tpu.scan <sum>, %scan3A_195 masked %broadcast_in_dim3A_203 : vector<16xf32>, vector<16xi1> -> vector<16xf32>
      %add3A_205 = vector.broadcast %add3A_178 : f32 to vector<16xf32>
      %add3A_206 = arith.addf %masked_cumsum3A_204, %add3A_205 : vector<16xf32>
      %reduce_sum3A_207 = arith.constant true
      %reduce_sum3A_208 = vector.broadcast %reduce_sum3A_207 : i1 to vector<16xi1>
      %reduce_sum3A_209 = tpu.scan <sum>, %scan3A_189 masked %reduce_sum3A_208 : vector<16xf32>, vector<16xi1> -> vector<16xf32>
      %reduce_sum3A_210 = vector.extract %reduce_sum3A_209[15] : f32 from vector<16xf32>
      %add3A_211 = arith.addf %add3A_173, %reduce_sum3A_210 : f32
      %reduce_sum3A_212 = arith.constant true
      %reduce_sum3A_213 = vector.broadcast %reduce_sum3A_212 : i1 to vector<16xi1>
      %reduce_sum3A_214 = tpu.scan <sum>, %scan3A_195 masked %reduce_sum3A_213 : vector<16xf32>, vector<16xi1> -> vector<16xf32>
      %reduce_sum3A_215 = vector.extract %reduce_sum3A_214[15] : f32 from vector<16xf32>
      %add3A_216 = arith.addf %add3A_178, %reduce_sum3A_215 : f32
      %mul3A_217 = arith.mulf %scan3A_195, %add3A_206 : vector<16xf32>
      %add3A_218 = arith.constant 1.000000e-07 : f32
      %add3A_219 = vector.broadcast %add3A_218 : f32 to vector<16xf32>
      %add3A_220 = arith.addf %add3A_201, %add3A_219 : vector<16xf32>
      %div3A_221 = arith.divf %mul3A_217, %add3A_220 : vector<16xf32>
      %add3A_222 = arith.addf %add3A_184, %div3A_221 : vector<16xf32>
      %scan3A_223 = arith.constant 0 : i32
      %scan3A_224 = arith.constant 16 : i32
      %scan3A_225 = arith.addi %scan3A_223, %scan3A_224 : i32
      %scan3A_226 = arith.constant 1 : i32
      %scan3A_227 = scf.for %scan3A_351 = %scan3A_223 to %scan3A_225 step %scan3A_226 iter_args(%scan3A_352 = %broadcast_in_dim3A_1) -> (vector<16xf32>)  : i32 {
        %get3A = arith.index_cast %scan3A_351 : i32 to index
        %get3A_353 = arith.constant 80 : index
        %get3A_354 = tpu.vector_load %arg9[%get3A, %get3A_353] {strides = array<i32>} : memref<16x288xf32, #tpu.memory_space<vmem>>, vector<16xf32>,
        %add3A_355 = arith.addf %scan3A_352, %get3A_354 : vector<16xf32>
        scf.yield %add3A_355 : vector<16xf32>
      }
      %scan3A_228 = arith.constant 16 : i32
      %scan3A_229 = arith.constant 0 : i32
      %scan3A_230 = arith.constant 16 : i32
      %scan3A_231 = arith.addi %scan3A_229, %scan3A_230 : i32
      %scan3A_232 = arith.constant 1 : i32
      %scan3A_233 = scf.for %scan3A_351 = %scan3A_229 to %scan3A_231 step %scan3A_232 iter_args(%scan3A_352 = %broadcast_in_dim3A_1) -> (vector<16xf32>)  : i32 {
        %get3A = arith.index_cast %scan3A_351 : i32 to index
        %get3A_353 = arith.constant 208 : index
        %get3A_354 = tpu.vector_load %arg9[%get3A, %get3A_353] {strides = array<i32>} : memref<16x288xf32, #tpu.memory_space<vmem>>, vector<16xf32>,
        %add3A_355 = arith.addf %scan3A_352, %get3A_354 : vector<16xf32>
        scf.yield %add3A_355 : vector<16xf32>
      }
      %scan3A_234 = arith.constant 16 : i32
      %broadcast_in_dim3A_235 = arith.constant true
      %broadcast_in_dim3A_236 = vector.broadcast %broadcast_in_dim3A_235 : i1 to vector<16xi1>
      %masked_cumsum3A_237 = tpu.scan <sum>, %scan3A_227 masked %broadcast_in_dim3A_236 : vector<16xf32>, vector<16xi1> -> vector<16xf32>
      %add3A_238 = vector.broadcast %add3A_211 : f32 to vector<16xf32>
      %add3A_239 = arith.addf %masked_cumsum3A_237, %add3A_238 : vector<16xf32>
      %broadcast_in_dim3A_240 = arith.constant true
      %broadcast_in_dim3A_241 = vector.broadcast %broadcast_in_dim3A_240 : i1 to vector<16xi1>
      %masked_cumsum3A_242 = tpu.scan <sum>, %scan3A_233 masked %broadcast_in_dim3A_241 : vector<16xf32>, vector<16xi1> -> vector<16xf32>
      %add3A_243 = vector.broadcast %add3A_216 : f32 to vector<16xf32>
      %add3A_244 = arith.addf %masked_cumsum3A_242, %add3A_243 : vector<16xf32>
      %reduce_sum3A_245 = arith.constant true
      %reduce_sum3A_246 = vector.broadcast %reduce_sum3A_245 : i1 to vector<16xi1>
      %reduce_sum3A_247 = tpu.scan <sum>, %scan3A_227 masked %reduce_sum3A_246 : vector<16xf32>, vector<16xi1> -> vector<16xf32>
      %reduce_sum3A_248 = vector.extract %reduce_sum3A_247[15] : f32 from vector<16xf32>
      %add3A_249 = arith.addf %add3A_211, %reduce_sum3A_248 : f32
      %reduce_sum3A_250 = arith.constant true
      %reduce_sum3A_251 = vector.broadcast %reduce_sum3A_250 : i1 to vector<16xi1>
      %reduce_sum3A_252 = tpu.scan <sum>, %scan3A_233 masked %reduce_sum3A_251 : vector<16xf32>, vector<16xi1> -> vector<16xf32>
      %reduce_sum3A_253 = vector.extract %reduce_sum3A_252[15] : f32 from vector<16xf32>
      %add3A_254 = arith.addf %add3A_216, %reduce_sum3A_253 : f32
      %mul3A_255 = arith.mulf %scan3A_233, %add3A_244 : vector<16xf32>
      %add3A_256 = arith.constant 1.000000e-07 : f32
      %add3A_257 = vector.broadcast %add3A_256 : f32 to vector<16xf32>
      %add3A_258 = arith.addf %add3A_239, %add3A_257 : vector<16xf32>
      %div3A_259 = arith.divf %mul3A_255, %add3A_258 : vector<16xf32>
      %add3A_260 = arith.addf %add3A_222, %div3A_259 : vector<16xf32>
      %scan3A_261 = arith.constant 0 : i32
      %scan3A_262 = arith.constant 16 : i32
      %scan3A_263 = arith.addi %scan3A_261, %scan3A_262 : i32
      %scan3A_264 = arith.constant 1 : i32
      %scan3A_265 = scf.for %scan3A_351 = %scan3A_261 to %scan3A_263 step %scan3A_264 iter_args(%scan3A_352 = %broadcast_in_dim3A_1) -> (vector<16xf32>)  : i32 {
        %get3A = arith.index_cast %scan3A_351 : i32 to index
        %get3A_353 = arith.constant 96 : index
        %get3A_354 = tpu.vector_load %arg9[%get3A, %get3A_353] {strides = array<i32>} : memref<16x288xf32, #tpu.memory_space<vmem>>, vector<16xf32>,
        %add3A_355 = arith.addf %scan3A_352, %get3A_354 : vector<16xf32>
        scf.yield %add3A_355 : vector<16xf32>
      }
      %scan3A_266 = arith.constant 16 : i32
      %scan3A_267 = arith.constant 0 : i32
      %scan3A_268 = arith.constant 16 : i32
      %scan3A_269 = arith.addi %scan3A_267, %scan3A_268 : i32
      %scan3A_270 = arith.constant 1 : i32
      %scan3A_271 = scf.for %scan3A_351 = %scan3A_267 to %scan3A_269 step %scan3A_270 iter_args(%scan3A_352 = %broadcast_in_dim3A_1) -> (vector<16xf32>)  : i32 {
        %get3A = arith.index_cast %scan3A_351 : i32 to index
        %get3A_353 = arith.constant 224 : index
        %get3A_354 = tpu.vector_load %arg9[%get3A, %get3A_353] {strides = array<i32>} : memref<16x288xf32, #tpu.memory_space<vmem>>, vector<16xf32>,
        %add3A_355 = arith.addf %scan3A_352, %get3A_354 : vector<16xf32>
        scf.yield %add3A_355 : vector<16xf32>
      }
      %scan3A_272 = arith.constant 16 : i32
      %broadcast_in_dim3A_273 = arith.constant true
      %broadcast_in_dim3A_274 = vector.broadcast %broadcast_in_dim3A_273 : i1 to vector<16xi1>
      %masked_cumsum3A_275 = tpu.scan <sum>, %scan3A_265 masked %broadcast_in_dim3A_274 : vector<16xf32>, vector<16xi1> -> vector<16xf32>
      %add3A_276 = vector.broadcast %add3A_249 : f32 to vector<16xf32>
      %add3A_277 = arith.addf %masked_cumsum3A_275, %add3A_276 : vector<16xf32>
      %broadcast_in_dim3A_278 = arith.constant true
      %broadcast_in_dim3A_279 = vector.broadcast %broadcast_in_dim3A_278 : i1 to vector<16xi1>
      %masked_cumsum3A_280 = tpu.scan <sum>, %scan3A_271 masked %broadcast_in_dim3A_279 : vector<16xf32>, vector<16xi1> -> vector<16xf32>
      %add3A_281 = vector.broadcast %add3A_254 : f32 to vector<16xf32>
      %add3A_282 = arith.addf %masked_cumsum3A_280, %add3A_281 : vector<16xf32>
      %reduce_sum3A_283 = arith.constant true
      %reduce_sum3A_284 = vector.broadcast %reduce_sum3A_283 : i1 to vector<16xi1>
      %reduce_sum3A_285 = tpu.scan <sum>, %scan3A_265 masked %reduce_sum3A_284 : vector<16xf32>, vector<16xi1> -> vector<16xf32>
      %reduce_sum3A_286 = vector.extract %reduce_sum3A_285[15] : f32 from vector<16xf32>
      %add3A_287 = arith.addf %add3A_249, %reduce_sum3A_286 : f32
      %reduce_sum3A_288 = arith.constant true
      %reduce_sum3A_289 = vector.broadcast %reduce_sum3A_288 : i1 to vector<16xi1>
      %reduce_sum3A_290 = tpu.scan <sum>, %scan3A_271 masked %reduce_sum3A_289 : vector<16xf32>, vector<16xi1> -> vector<16xf32>
      %reduce_sum3A_291 = vector.extract %reduce_sum3A_290[15] : f32 from vector<16xf32>
      %add3A_292 = arith.addf %add3A_254, %reduce_sum3A_291 : f32
      %mul3A_293 = arith.mulf %scan3A_271, %add3A_282 : vector<16xf32>
      %add3A_294 = arith.constant 1.000000e-07 : f32
      %add3A_295 = vector.broadcast %add3A_294 : f32 to vector<16xf32>
      %add3A_296 = arith.addf %add3A_277, %add3A_295 : vector<16xf32>
      %div3A_297 = arith.divf %mul3A_293, %add3A_296 : vector<16xf32>
      %add3A_298 = arith.addf %add3A_260, %div3A_297 : vector<16xf32>
      %scan3A_299 = arith.constant 0 : i32
      %scan3A_300 = arith.constant 16 : i32
      %scan3A_301 = arith.addi %scan3A_299, %scan3A_300 : i32
      %scan3A_302 = arith.constant 1 : i32
      %scan3A_303 = scf.for %scan3A_351 = %scan3A_299 to %scan3A_301 step %scan3A_302 iter_args(%scan3A_352 = %broadcast_in_dim3A_1) -> (vector<16xf32>)  : i32 {
        %get3A = arith.index_cast %scan3A_351 : i32 to index
        %get3A_353 = arith.constant 112 : index
        %get3A_354 = tpu.vector_load %arg9[%get3A, %get3A_353] {strides = array<i32>} : memref<16x288xf32, #tpu.memory_space<vmem>>, vector<16xf32>,
        %add3A_355 = arith.addf %scan3A_352, %get3A_354 : vector<16xf32>
        scf.yield %add3A_355 : vector<16xf32>
      }
      %scan3A_304 = arith.constant 16 : i32
      %scan3A_305 = arith.constant 0 : i32
      %scan3A_306 = arith.constant 16 : i32
      %scan3A_307 = arith.addi %scan3A_305, %scan3A_306 : i32
      %scan3A_308 = arith.constant 1 : i32
      %scan3A_309 = scf.for %scan3A_351 = %scan3A_305 to %scan3A_307 step %scan3A_308 iter_args(%scan3A_352 = %broadcast_in_dim3A_1) -> (vector<16xf32>)  : i32 {
        %get3A = arith.index_cast %scan3A_351 : i32 to index
        %get3A_353 = arith.constant 240 : index
        %get3A_354 = tpu.vector_load %arg9[%get3A, %get3A_353] {strides = array<i32>} : memref<16x288xf32, #tpu.memory_space<vmem>>, vector<16xf32>,
        %add3A_355 = arith.addf %scan3A_352, %get3A_354 : vector<16xf32>
        scf.yield %add3A_355 : vector<16xf32>
      }
      %scan3A_310 = arith.constant 16 : i32
      %broadcast_in_dim3A_311 = arith.constant true
      %broadcast_in_dim3A_312 = vector.broadcast %broadcast_in_dim3A_311 : i1 to vector<16xi1>
      %masked_cumsum3A_313 = tpu.scan <sum>, %scan3A_303 masked %broadcast_in_dim3A_312 : vector<16xf32>, vector<16xi1> -> vector<16xf32>
      %add3A_314 = vector.broadcast %add3A_287 : f32 to vector<16xf32>
      %add3A_315 = arith.addf %masked_cumsum3A_313, %add3A_314 : vector<16xf32>
      %broadcast_in_dim3A_316 = arith.constant true
      %broadcast_in_dim3A_317 = vector.broadcast %broadcast_in_dim3A_316 : i1 to vector<16xi1>
      %masked_cumsum3A_318 = tpu.scan <sum>, %scan3A_309 masked %broadcast_in_dim3A_317 : vector<16xf32>, vector<16xi1> -> vector<16xf32>
      %add3A_319 = vector.broadcast %add3A_292 : f32 to vector<16xf32>
      %add3A_320 = arith.addf %masked_cumsum3A_318, %add3A_319 : vector<16xf32>
      %reduce_sum3A_321 = arith.constant true
      %reduce_sum3A_322 = vector.broadcast %reduce_sum3A_321 : i1 to vector<16xi1>
      %reduce_sum3A_323 = tpu.scan <sum>, %scan3A_303 masked %reduce_sum3A_322 : vector<16xf32>, vector<16xi1> -> vector<16xf32>
      %reduce_sum3A_324 = vector.extract %reduce_sum3A_323[15] : f32 from vector<16xf32>
      %add3A_325 = arith.addf %add3A_287, %reduce_sum3A_324 : f32
      %reduce_sum3A_326 = arith.constant true
      %reduce_sum3A_327 = vector.broadcast %reduce_sum3A_326 : i1 to vector<16xi1>
      %reduce_sum3A_328 = tpu.scan <sum>, %scan3A_309 masked %reduce_sum3A_327 : vector<16xf32>, vector<16xi1> -> vector<16xf32>
      %reduce_sum3A_329 = vector.extract %reduce_sum3A_328[15] : f32 from vector<16xf32>
      %add3A_330 = arith.addf %add3A_292, %reduce_sum3A_329 : f32
      %mul3A_331 = arith.mulf %scan3A_309, %add3A_320 : vector<16xf32>
      %add3A_332 = arith.constant 1.000000e-07 : f32
      %add3A_333 = vector.broadcast %add3A_332 : f32 to vector<16xf32>
      %add3A_334 = arith.addf %add3A_315, %add3A_333 : vector<16xf32>
      %div3A_335 = arith.divf %mul3A_331, %add3A_334 : vector<16xf32>
      %add3A_336 = arith.addf %add3A_298, %div3A_335 : vector<16xf32>
      %scan3A_337 = arith.constant 0 : i32
      %scan3A_338 = arith.constant 16 : i32
      %scan3A_339 = arith.addi %scan3A_337, %scan3A_338 : i32
      %scan3A_340 = arith.constant 1 : i32
      %scan3A_341 = scf.for %scan3A_351 = %scan3A_337 to %scan3A_339 step %scan3A_340 iter_args(%scan3A_352 = %broadcast_in_dim3A_1) -> (vector<16xf32>)  : i32 {
        %get3A = arith.index_cast %scan3A_351 : i32 to index
        %get3A_353 = arith.constant 256 : index
        %get3A_354 = tpu.vector_load %arg9[%get3A, %get3A_353] {strides = array<i32>} : memref<16x288xf32, #tpu.memory_space<vmem>>, vector<16xf32>,
        %add3A_355 = arith.addf %scan3A_352, %get3A_354 : vector<16xf32>
        scf.yield %add3A_355 : vector<16xf32>
      }
      %scan3A_342 = arith.constant 16 : i32
      %reduce_sum3A_343 = arith.constant true
      %reduce_sum3A_344 = vector.broadcast %reduce_sum3A_343 : i1 to vector<16xi1>
      %reduce_sum3A_345 = tpu.scan <sum>, %add3A_336 masked %reduce_sum3A_344 : vector<16xf32>, vector<16xi1> -> vector<16xf32>
      %reduce_sum3A_346 = vector.extract %reduce_sum3A_345[15] : f32 from vector<16xf32>
      %broadcast_in_dim3A_347 = vector.broadcast %reduce_sum3A_346 : f32 to vector<16xf32>
      %div3A_348 = arith.divf %broadcast_in_dim3A_347, %scan3A_341 : vector<16xf32>
      %swap3A_349 = arith.constant 0 : index
      %swap3A_350 = tpu.vector_load %arg8[%swap3A_349] {strides = array<i32>} : memref<288xf32, #tpu.memory_space<vmem>>, vector<16xf32>,
      tpu.vector_store %arg8[%swap3A_349], %div3A_348 {strides = array<i32>} : memref<288xf32, #tpu.memory_space<vmem>>, vector<16xf32>,
      "tpu.region"() ({
        %run_scoped3A = tpu.sem_alloc : memref<!tpu.dma_semaphore, #tpu.memory_space<semaphore_mem>>
        %dma_start3A = arith.constant 0 : i32
        %dma_start3A_351 = tpu.memref_slice %arg8[%dma_start3A] : memref<288xf32, #tpu.memory_space<vmem>> -> memref<16xf32, #tpu.memory_space<vmem>>
        %dma_start3A_352 = arith.constant 0 : i32
        %dma_start3A_353 = tpu.memref_slice %arg8[%dma_start3A_352] : memref<288xf32, #tpu.memory_space<vmem>> -> memref<16xf32, #tpu.memory_space<vmem>>
        tpu.enqueue_dma source(%dma_start3A_353 : memref<16xf32, #tpu.memory_space<vmem>>) target(%arg4 : memref<16xf32, #tpu.memory_space<hbm>>) target_semaphore(%run_scoped3A : memref<!tpu.dma_semaphore, #tpu.memory_space<semaphore_mem>>)
        %dma_wait3A = arith.constant 0 : i32
        %dma_wait3A_354 = tpu.memref_slice %arg8[%dma_wait3A] : memref<288xf32, #tpu.memory_space<vmem>> -> memref<16xf32, #tpu.memory_space<vmem>>
        %dma_wait3A_355 = arith.constant 0 : i32
        %dma_wait3A_356 = tpu.memref_slice %arg8[%dma_wait3A_355] : memref<288xf32, #tpu.memory_space<vmem>> -> memref<16xf32, #tpu.memory_space<vmem>>
        tpu.wait_dma2 semaphore(%run_scoped3A : memref<!tpu.dma_semaphore, #tpu.memory_space<semaphore_mem>>) src(%dma_wait3A_356 : memref<16xf32, #tpu.memory_space<vmem>>) dst(%arg4 : memref<16xf32, #tpu.memory_space<hbm>>)
        tpu.yield
      }) : () -> ()
    } else {
    }
    return
  }
}

module attributes {stable_mosaic.version = 14 : i64} {
  func.func @_dense_body(%arg0: i32, %arg1: memref<8x128x128xf32, #tpu.memory_space<vmem>>, %arg2: memref<1x128xf32, #tpu.memory_space<vmem>>, %arg3: memref<8x128x100xf32, #tpu.memory_space<vmem>>, %arg4: memref<1x100xf32, #tpu.memory_space<vmem>>, %arg5: memref<8x128xf32, #tpu.memory_space<vmem>>, %arg6: memref<8x128xf32, #tpu.memory_space<vmem>>) attributes {dimension_semantics = [#tpu.dimension_semantics<arbitrary>], iteration_bounds = array<i64: 8>, scalar_prefetch = 0 : i64, scratch_operands = 0 : i64, tpu.core_type = #tpu.core_type<tc>, window_params = [{transform_indices = @transform_0, window_bounds = array<i64: 8, 128, 128>}, {pipeline_mode = #tpu.pipeline_mode<synchronous>, transform_indices = @transform_1, window_bounds = array<i64: 1, 128>}, {transform_indices = @transform_2, window_bounds = array<i64: 8, 128, 100>}, {pipeline_mode = #tpu.pipeline_mode<synchronous>, transform_indices = @transform_3, window_bounds = array<i64: 1, 100>}, {transform_indices = @transform_4, window_bounds = array<i64: 8, 128>}, {transform_indices = @transform_5, window_bounds = array<i64: 8, 128>}]} {
    %get3A = arith.constant 0 : index
    %get3A_0 = arith.constant 0 : index
    %get3A_1 = arith.constant 0 : index
    %get3A_2 = vector.load %arg1[%get3A, %get3A_0, %get3A_1] : memref<8x128x128xf32, #tpu.memory_space<vmem>>, vector<8x128x128xf32>
    %get3A_3 = arith.constant 0 : index
    %get3A_4 = arith.constant 0 : index
    %get3A_5 = vector.load %arg2[%get3A_3, %get3A_4] : memref<1x128xf32, #tpu.memory_space<vmem>>, vector<1x128xf32>
    %reshape3A = vector.shape_cast %get3A_5 : vector<1x128xf32> to vector<1x1x128xf32>
    %sub3A = vector.broadcast %reshape3A : vector<1x1x128xf32> to vector<8x128x128xf32>
    %sub3A_6 = arith.subf %get3A_2, %sub3A : vector<8x128x128xf32>
    %mul3A = arith.mulf %sub3A_6, %sub3A_6 : vector<8x128x128xf32>
    %reduce_sum3A = arith.constant dense<0.000000e+00> : vector<8x128xf32>
    %reduce_sum3A_7 = vector.multi_reduction <add>, %mul3A, %reduce_sum3A [2] : vector<8x128x128xf32> to vector<8x128xf32>
    %swap3A = arith.constant 0 : index
    %swap3A_8 = arith.constant 0 : index
    %swap3A_9 = vector.load %arg5[%swap3A, %swap3A_8] : memref<8x128xf32, #tpu.memory_space<vmem>>, vector<8x128xf32>
    tpu.vector_store %arg5[%swap3A, %swap3A_8], %reduce_sum3A_7 {strides = array<i32>} : memref<8x128xf32, #tpu.memory_space<vmem>>, vector<8x128xf32>,
    %get3A_10 = arith.constant 0 : index
    %get3A_11 = arith.constant 0 : index
    %get3A_12 = arith.constant 0 : index
    %get3A_13 = vector.load %arg3[%get3A_10, %get3A_11, %get3A_12] : memref<8x128x100xf32, #tpu.memory_space<vmem>>, vector<8x128x100xf32>
    %iota3A = tpu.iota {dimensions = array<i32: 2>} : vector<8x128x100xi32>
    %lt3A = arith.constant 100 : i32
    %lt3A_14 = vector.broadcast %lt3A : i32 to vector<8x128x100xi32>
    %lt3A_15 = arith.cmpi slt, %iota3A, %lt3A_14 : vector<8x128x100xi32>
    %jit3A = arith.constant 0xFF800000 : f32
    %broadcast_in_dim3A = vector.broadcast %jit3A : f32 to vector<8x128x100xf32>
    %select_n3A = arith.select %lt3A_15, %get3A_13, %broadcast_in_dim3A : vector<8x128x100xi1>, vector<8x128x100xf32>
    %reduce_max3A = arith.constant dense<0xFF800000> : vector<8x128xf32>
    %reduce_max3A_16 = vector.multi_reduction <maximumf>, %select_n3A, %reduce_max3A [2] : vector<8x128x100xf32> to vector<8x128xf32>
    %broadcast_in_dim3A_17 = vector.shape_cast %reduce_max3A_16 : vector<8x128xf32> to vector<8x128x1xf32>
    %eq3A = vector.broadcast %broadcast_in_dim3A_17 : vector<8x128x1xf32> to vector<8x128x100xf32>
    %eq3A_18 = arith.cmpf oeq, %select_n3A, %eq3A : vector<8x128x100xf32>
    %jit3A_19 = arith.constant 1073741824 : i32
    %broadcast_in_dim3A_20 = vector.broadcast %jit3A_19 : i32 to vector<8x128x100xi32>
    %select_n3A_21 = arith.select %eq3A_18, %iota3A, %broadcast_in_dim3A_20 : vector<8x128x100xi1>, vector<8x128x100xi32>
    %reduce_min3A = arith.constant dense<2147483647> : vector<8x128xi32>
    %reduce_min3A_22 = vector.multi_reduction <minsi>, %select_n3A_21, %reduce_min3A [2] : vector<8x128x100xi32> to vector<8x128xi32>
    %get3A_23 = arith.constant 0 : index
    %get3A_24 = arith.constant 0 : index
    %get3A_25 = vector.load %arg4[%get3A_23, %get3A_24] : memref<1x100xf32, #tpu.memory_space<vmem>>, vector<1x100xf32>
    %reshape3A_26 = vector.shape_cast %get3A_25 : vector<1x100xf32> to vector<1x1x100xf32>
    %iota3A_27 = tpu.iota {dimensions = array<i32: 2>} : vector<1x1x100xi32>
    %lt3A_28 = arith.constant 100 : i32
    %lt3A_29 = vector.broadcast %lt3A_28 : i32 to vector<1x1x100xi32>
    %lt3A_30 = arith.cmpi slt, %iota3A_27, %lt3A_29 : vector<1x1x100xi32>
    %jit3A_31 = arith.constant 0xFF800000 : f32
    %broadcast_in_dim3A_32 = vector.broadcast %jit3A_31 : f32 to vector<1x1x100xf32>
    %select_n3A_33 = arith.select %lt3A_30, %reshape3A_26, %broadcast_in_dim3A_32 : vector<1x1x100xi1>, vector<1x1x100xf32>
    %reduce_max3A_34 = arith.constant dense<0xFF800000> : vector<1x1xf32>
    %reduce_max3A_35 = vector.multi_reduction <maximumf>, %select_n3A_33, %reduce_max3A_34 [2] : vector<1x1x100xf32> to vector<1x1xf32>
    %broadcast_in_dim3A_36 = vector.shape_cast %reduce_max3A_35 : vector<1x1xf32> to vector<1x1x1xf32>
    %eq3A_37 = vector.broadcast %broadcast_in_dim3A_36 : vector<1x1x1xf32> to vector<1x1x100xf32>
    %eq3A_38 = arith.cmpf oeq, %select_n3A_33, %eq3A_37 : vector<1x1x100xf32>
    %jit3A_39 = arith.constant 1073741824 : i32
    %broadcast_in_dim3A_40 = vector.broadcast %jit3A_39 : i32 to vector<1x1x100xi32>
    %select_n3A_41 = arith.select %eq3A_38, %iota3A_27, %broadcast_in_dim3A_40 : vector<1x1x100xi1>, vector<1x1x100xi32>
    %reduce_min3A_42 = arith.constant dense<2147483647> : vector<1x1xi32>
    %reduce_min3A_43 = vector.multi_reduction <minsi>, %select_n3A_41, %reduce_min3A_42 [2] : vector<1x1x100xi32> to vector<1x1xi32>
    %eq3A_44 = vector.broadcast %reduce_min3A_43 : vector<1x1xi32> to vector<8x128xi32>
    %eq3A_45 = arith.cmpi eq, %reduce_min3A_22, %eq3A_44 : vector<8x128xi32>
    %convert_element_type3A = arith.extui %eq3A_45 : vector<8x128xi1> to vector<8x128xi32>
    %convert_element_type3A_46 = arith.sitofp %convert_element_type3A : vector<8x128xi32> to vector<8x128xf32>
    %swap3A_47 = arith.constant 0 : index
    %swap3A_48 = arith.constant 0 : index
    %swap3A_49 = vector.load %arg6[%swap3A_47, %swap3A_48] : memref<8x128xf32, #tpu.memory_space<vmem>>, vector<8x128xf32>
    tpu.vector_store %arg6[%swap3A_47, %swap3A_48], %convert_element_type3A_46 {strides = array<i32>} : memref<8x128xf32, #tpu.memory_space<vmem>>, vector<8x128xf32>,
    return
  }
  func.func @transform_0(%arg0: i32) -> (i32, i32, i32) {
    %c0_i32 = arith.constant 0 : i32
    %c0_i32_0 = arith.constant 0 : i32
    %c0_i32_1 = arith.constant 0 : i32
    return %arg0, %c0_i32, %c0_i32_0 : i32, i32, i32
  }
  func.func @transform_1(%arg0: i32) -> (i32, i32) {
    %c0_i32 = arith.constant 0 : i32
    %c0_i32_0 = arith.constant 0 : i32
    %c0_i32_1 = arith.constant 0 : i32
    return %c0_i32, %c0_i32_0 : i32, i32
  }
  func.func @transform_2(%arg0: i32) -> (i32, i32, i32) {
    %c0_i32 = arith.constant 0 : i32
    %c0_i32_0 = arith.constant 0 : i32
    %c0_i32_1 = arith.constant 0 : i32
    return %arg0, %c0_i32, %c0_i32_0 : i32, i32, i32
  }
  func.func @transform_3(%arg0: i32) -> (i32, i32) {
    %c0_i32 = arith.constant 0 : i32
    %c0_i32_0 = arith.constant 0 : i32
    %c0_i32_1 = arith.constant 0 : i32
    return %c0_i32, %c0_i32_0 : i32, i32
  }
  func.func @transform_4(%arg0: i32) -> (i32, i32) {
    %c0_i32 = arith.constant 0 : i32
    %c0_i32_0 = arith.constant 0 : i32
    return %arg0, %c0_i32 : i32, i32
  }
  func.func @transform_5(%arg0: i32) -> (i32, i32) {
    %c0_i32 = arith.constant 0 : i32
    %c0_i32_0 = arith.constant 0 : i32
    return %arg0, %c0_i32 : i32, i32
  }
}

</mosaic_0001>

<sc_bundles>
// kernel: kernel.4.cloned.1.call-start
scs
__scs_entry_jumppad:
0x0: {  	(pc) =	sbr.rel $0x88, $3  }
0x1: {  	(tag) =	ssettag $0x0;
	lr =	simm.s32 $0x1  }
0x2: {  	[smem:$0x3F9F] =	sst lr;
	_ =	strace $0xD0000000  }
0x3: {  	_ = 	snop  }
0x4: {  	_ = 	snop  }
0x5: {  	_ = 	snop  }
0x6: {  	_ = 	snop  }
0x7: {  	_ = 	snop  }
__scs_overlays_trampoline_lowered:
0x8: {  	[smem:$0x3FAE] =	sst s0  }
0x9: {  	[smem:$0x3FAF] =	sst s1  }
0xa: {  	[smem:$0x3FB0] =	sst s2  }
0xb: {  	[smem:$0x3FB1] =	sst s3  }
0xc: {  	[smem:$0x3FB2] =	sst s4  }
0xd: {  	[smem:$0x3FB3] =	sst s5  }
0xe: {  	[smem:$0x3FB4] =	sst s6  }
0xf: {  	[smem:$0x3FB5] =	sst s7  }
0x10: {  	[smem:$0x3FB6] =	sst s8  }
0x11: {  	[smem:$0x3FB7] =	sst s9;
	s0 =	simm.s32 @!p0 $0x0  }
0x12: {  	s1 =	sld [smem:$0x3F9D];
	s0 =	simm.s32 @p0 $0x1  }
0x13: {  	[smem:$0x3FB8] =	sst s0;
	s0 =	simm.s32 @!p1 $0x0  }
0x14: {  	s2 =	sld [smem:$0x3F9C];
	s0 =	simm.s32 @p1 $0x1  }
0x15: {  	[smem:$0x3FB9] =	sst s0;
	s0 =	simm.s32 @!p2 $0x0  }
0x16: {  	s3 =	sld [smem:$0x3FDB];
	s0 =	simm.s32 @p2 $0x1  }
0x17: {  	s4 =	simm.s32 $0x1BF5;
	[smem:$0x3FBB] =	sst s0  }
0x18: {  	s0 =	sld [smem:$0x3F9E];
	_ =	swait.ge [sflag:s4], $0x0  }
0x19: {  	s7 =	sld [smem:$0x3F9F]  }
0x1a: {  	s8 =	sadd.s32 $0xFFFFE003, lr  }
0x1b: {  	s9 =	sadd.s32 $0xFFFFFEF7, lr;
	s5 =	simm.s32 $0xFFFFFFFF;
	p2 =	slt.u32 s8, $0xFFFFF086  }
0x1c: {  	p1 =	slt.u32 s9, $0xF7A;
	s5 =	simm.s32 @!p2 $0x0  }
0x1d: {  	s5 =	simm.s32 @p1 $0x1;
	p0 =	seq.s32 s7, s2  }
0x1e: {  	s7 =	smul.u32 @!p0 $0xF7A, s2;
	p2 =	seq.s32 @!p0 s5, $0x0  }
0x1f: {  	s9 =	smul.u32 $0xF7A, s1;
	s8 =	simm.s32 @!p0 $0x1BF5;
	p2 =	por !p2, p0  }
0x20: {  	[sflag:s8] =	ssyncset.s32 @!p0 $0xFFFFF086;
	s6 =	sadd.s32 @!p0 s3, s7;
	s7 =	simm.s32 @!p0 $0x108  }
0x21: {  	s3 =	sadd.s32 s3, s9;
	s6 =	sadd.s32 @!p0 $0x88, s6;
	s7 =	simm.s32 @p2 $0x1082  }
0x22: {  	[simem:s7], [sflag:s8] =	dma.local @!p0 [hbm:s6], $0xF7A  }
0x23: {  	s9 =	sor.u32 $0xD0000000, s2;
	s6 =	simm.s32 $0x108;
	_ =	swait.ge @!p0 [sflag:s8], $0x0  }
0x24: {  	s3 =	sadd.s32 $0x88, s3;
	s6 =	simm.s32 @!p1 $0x1082;
	[sflag:s4] =	ssyncset.s32 $0xFFFFF086  }
0x25: {  	[simem:s6], [sflag:s4] =	dma.local [hbm:s3], $0xF7A  }
0x26: {  	[smem:$0x3F9F] =	sst s1;
	(tag) =	ssettag s2;
	_ =	strace s9  }
0x27: {  	s1 =	sld [smem:$0x3FAF]  }
0x28: {  	s2 =	sld [smem:$0x3FB0]  }
0x29: {  	s4 =	sld [smem:$0x3FB2]  }
0x2a: {  	p0 =	seq.s32 s5, $0x0;
	s5 =	sld [smem:$0x3FB3]  }
0x2b: {  	s6 =	sld [smem:$0x3FB4]  }
0x2c: {  	s7 =	sld [smem:$0x3FB5]  }
0x2d: {  	s3 =	simm.s32 $0x108;
	s8 =	sld [smem:$0x3FB6]  }
0x2e: {  	s3 =	simm.s32 @!p0 $0x1082;
	s9 =	sld [smem:$0x3FB7]  }
0x2f: {  	lr =	sadd.s32 s0, s3;
	s0 =	sld [smem:$0x3FAE]  }
0x30: {  	s3 =	sld [smem:$0x3FB1]  }
0x31: {  	[smem:$0x3FBA] =	sst s10  }
0x32: {  	s10 =	sld [smem:$0x3FB8];
	_ =	sdelay $0x3  }
0x33: {  	p0 =	seq.s32 s10, $0x1;
	s10 =	sld [smem:$0x3FBA];
	_ =	sdelay $0x3  }
0x34: {  	[smem:$0x3FBA] =	sst s10  }
0x35: {  	s10 =	sld [smem:$0x3FB9];
	_ =	sdelay $0x3  }
0x36: {  	p1 =	seq.s32 s10, $0x1;
	s10 =	sld [smem:$0x3FBA];
	_ =	sdelay $0x3  }
0x37: {  	[smem:$0x3FBA] =	sst s10  }
0x38: {  	s10 =	sld [smem:$0x3FBB]  }
0x39: {  	_ = 	snop;
	(pc) =	sbr.ind lr, $3  }
0x3a: {  	_ = 	snop  }
0x3b: {  	_ = 	snop  }
0x3c: {  	p2 =	seq.s32 s10, $0x1;
	s10 =	sld [smem:$0x3FBA]  }
0x3d: {  	_ =	shalt  }
0x3e: {  	_ =	shalt  }
0x3f: {  	_ =	shalt  }
0x40: {  	_ =	shalt  }
0x41: {  	_ =	shalt  }
0x42: {  	_ =	shalt  }
0x43: {  	_ =	shalt  }
0x44: {  	_ =	shalt  }
0x45: {  	_ =	shalt  }
0x46: {  	_ =	shalt  }
0x47: {  	_ =	shalt  }
0x48: {  	_ =	shalt  }
0x49: {  	_ =	shalt  }
0x4a: {  	_ =	shalt  }
0x4b: {  	_ =	shalt  }
0x4c: {  	_ =	shalt  }
0x4d: {  	_ =	shalt  }
0x4e: {  	_ =	shalt  }
0x4f: {  	_ =	shalt  }
0x50: {  	_ =	shalt  }
0x51: {  	_ =	shalt  }
0x52: {  	_ =	shalt  }
0x53: {  	_ =	shalt  }
0x54: {  	_ =	shalt  }
0x55: {  	_ =	shalt  }
0x56: {  	_ =	shalt  }
0x57: {  	_ =	shalt  }
0x58: {  	_ =	shalt  }
0x59: {  	_ =	shalt  }
0x5a: {  	_ =	shalt  }
0x5b: {  	_ =	shalt  }
0x5c: {  	_ =	shalt  }
0x5d: {  	_ =	shalt  }
0x5e: {  	_ =	shalt  }
0x5f: {  	_ =	shalt  }
0x60: {  	_ =	shalt  }
0x61: {  	_ =	shalt  }
0x62: {  	_ =	shalt  }
0x63: {  	_ =	shalt  }
0x64: {  	_ =	shalt  }
0x65: {  	_ =	shalt  }
0x66: {  	_ =	shalt  }
0x67: {  	_ =	shalt  }
0x68: {  	_ =	shalt  }
0x69: {  	_ =	shalt  }
0x6a: {  	_ =	shalt  }
0x6b: {  	_ =	shalt  }
0x6c: {  	_ =	shalt  }
0x6d: {  	_ =	shalt  }
0x6e: {  	_ =	shalt  }
0x6f: {  	_ =	shalt  }
0x70: {  	_ =	shalt  }
0x71: {  	_ =	shalt  }
0x72: {  	_ =	shalt  }
0x73: {  	_ =	shalt  }
0x74: {  	_ =	shalt  }
0x75: {  	_ =	shalt  }
0x76: {  	_ =	shalt  }
0x77: {  	_ =	shalt  }
0x78: {  	_ =	shalt  }
0x79: {  	_ =	shalt  }
0x7a: {  	_ =	shalt  }
0x7b: {  	_ =	shalt  }
0x7c: {  	_ =	shalt  }
0x7d: {  	_ =	shalt  }
0x7e: {  	_ =	shalt  }
0x7f: {  	_ =	shalt  }
0x80: {  	_ =	shalt  }
0x81: {  	_ =	shalt  }
0x82: {  	_ =	shalt  }
0x83: {  	_ =	shalt  }
0x84: {  	_ =	shalt  }
0x85: {  	_ =	shalt  }
0x86: {  	_ =	shalt  }
0x87: {  	_ =	shalt  }
.Lfunc_end0:
.L_simem_size_0:
called_computation_lowered:
.L_overlay_start_0:
0x88: {  	s0 =	sld [smem:$0x3FD9]  }
0x89: {  	s1 =	sld [smem:$0x3FFE];
	_ =	sdelay $0x3  }
0x8a: {  	s0 =	sadd.s32 s1, s0  }
0x8b: {  	[smem:$0x3FC6] =	sst s0  }
0x8c: {  	_ = 	snop  }
0x8d: {  	s0 =	sld [smem:$0x3FD0];
	(tm) =	ssettm $0x1  }
0x8e: {  	s16 =	sld [smem:$0x3FFB];
	_ =	sdelay $0x3  }
0x8f: {  	_ =	strace s16  }
0x90: {  	s1 =	sld [smem:$0x3FFC];
	_ =	sdelay $0x3  }
0x91: {  	_ =	strace s1  }
0x92: {  	s1 =	sld [smem:$0x3FFD];
	_ =	sdelay $0x3  }
0x93: {  	_ =	strace s1  }
0x94: {  	_ =	strace $0x8FFFFFFF  }
0x95: {  	s17 =	sld [smem:$0x3FDB];
	_ =	sdelay $0x1  }
0x96: {  	s2 =	simm.s32 $_scs_section_size  }
0x97: {  	s3 =	simm.s32 $_size__tile_overlayer_lowered;
	s4 =	simm.s32 $_tile_overlayer_lowered  }
0x98: {  	s20 =	simm.s32 $0x1BFF;
	s19 =	sshll.u32 s4, $0x1;
	s1 =	sadd.s32 s2, s17  }
0x99: {  	s5 =	simm.s32 $0x0;
	s18 =	sshll.u32 s3, $0x1;
	s3 =	sadd.s32 s19, s1  }
0x9a: {  	[timem:s5], [sflag:s20] =	dma.local [hbm:s3], s18  }
0x9b: {  	_ =	swait.ge [sflag:s20], s18  }
0x9c: {  	s2 =	ssub.s32 $0x0, s18;
	[sflag:s20] =	ssyncset.done $0x0  }
0x9d: {  	[sflag:s20] =	ssyncadd.s32 s2;
	_ =	sdelay $0x1  }
0x9e: {  	s21 =	simm.s32 $0x1B8B  }
0x9f: {  	_ =	swait.ge [sflag:s21], $0x1  }
0xa0: {  	[sflag:s21] =	ssyncset.done $0x0  }
0xa1: {  	s23 =	simm.s32 $0x1B8E;
	s22 =	sld [smem:$0x3FFE];
	[sflag:s21] =	ssyncadd.s32 $0xFFFFFFFF  }
0xa2: {  	s24 =	simm.s32 $execute0_lowered;
	[smem:$0x3FD2] =	sst s23  }
0xa3: {  	s3 =	sshll.u32 s24, $0x1;
	_ =	strace $0x80000046;
	[dreg:$0x1] =	wrdreg $0xFFFFFFFF  }
0xa4: {  	s25 =	simm.s32 $_size_execute0_lowered;
	s1 =	sadd.s32 s1, s3;
	[dreg:$0x0] =	wrdreg $0x0  }
0xa5: {  	s3 =	sshll.u32 s25, $0x1;
	[dreg:$0x2] =	wrdreg s1  }
0xa6: {  	[dreg:$0x3] =	wrdreg s3  }
0xa7: {  	[dreg:$0x4] =	wrdreg $0xC0  }
0xa8: {  	_ =	task [dreg:s5], $0x5FFFF  }
0xa9: {  	[dreg:$0x1] =	wrdreg $0xFFFFFFFF  }
0xaa: {  	[dreg:$0x0] =	wrdreg $0x60  }
0xab: {  	[dreg:$0x2] =	wrdreg s22  }
0xac: {  	[dreg:$0x3] =	wrdreg s0  }
0xad: {  	[dreg:$0x4] =	wrdreg $0x2D800  }
0xae: {  	[dreg:$0x5] =	wrdreg $0x9  }
0xaf: {  	_ =	task.clear_ibuf [dreg:s5], $0x6FFFF;
	_ =	strace $0x90000046  }
0xb0: {  	s26 =	simm.s32 $0x9;
	_ =	strace $0x80000048  }
0xb1: {  	_ =	swait.ge [sflag:s26], $0x1  }
0xb2: {  	[sflag:s26] =	ssyncadd.s32 $0xFFFFFFFF  }
0xb3: {  	_ =	strace $0x90000048  }
0xb4: {  	_ =	sfence  }
0xb5: {  	s28 =	sld [smem:$0x0];
	_ =	sdelay $0x1  }
0xb6: {  	s29 =	srdreg.scid  }
0xb7: {  	s30 =	sshll.u32 s29, $0xD;
	s31 =	sshrl.u32 s29, $0x2  }
0xb8: {  	s2 =	sand.u32 $0x4000, s30;
	s1 =	sand.u32 $0x1, s29;
	s0 =	sadd.s32 s31, s28  }
0xb9: {  	s1 =	sor.u32 s2, s1;
	s0 =	sshll.u32 s0, $0x11  }
0xba: {  	s0 =	sor.u32 s0, s1  }
0xbb: {  	s0 =	sadd.s32 $0x8F2B, s0  }
0xbc: {  	[sflag:s0] =	ssyncadd.remote.s32 $0x1  }
0xbd: {  	_ =	sfence.sel $0xFFFF  }
0xbe: {  	[dreg:$0x0] =	wrdreg $0xFFFFFFFF;
	(pc) =	sbr.abs _section_cstart, $3  }
0xbf: {  	[dreg:$0x1] =	wrdreg $0xFFFFFFFF  }
0xc0: {  	_ =	task.clear_ibuf [dreg:s5], $0x2FFFF;
	_ =	strace $0x9FFFFFFF  }
0xc1: {  	(tm) =	ssettm $0x7FFFFFFF  }
tec
execute0_lowered:
.L_overlay_start_1:
0x0: {  	(tag) =	ssettag $0x1  }
0x1: {  	s2 =	rddreg [dreg:$0x0]  }
0x2: {  	s1 =	rddreg [dreg:$0x1]  }
0x3: {  	s4 =	rddreg [dreg:$0x2];
	s5 =	stileid.u32  }
0x4: {  	s0 =	rddreg [dreg:$0x3];
	s3 =	simm.s32 $0x0;
	s6 =	sshll.u32 s5, $0x6  }
0x5: {  	[smem:$0x7FF] =	sst s3;
	s2 =	sadd.s32 s6, s2  }
0x6: {  	s31 =	simm.s32 $0x1;
	_ =	strace $0x80000047;
	s6 =	sadd.s32 $0xC00, s2  }
0x7: {  	[tilespmem:s3], [sflag:$0x1] =	stream.linear.gather [hbm4b:s6+s3], $0x200, $0x38;
	[tilespmem:$0x2EA0] =	vst v63  }
0x8: {  	_ =	swait.ge [sflag:s31], $0x200  }
0x9: {  	[sflag:s31] =	ssyncset.done $0x0  }
0xa: {  	s7 =	simm.s32 $0x200;
	s2 =	sadd.s32 $0x1000, s2;
	[sflag:s31] =	ssyncadd.s32 $0xFFFFFE00  }
0xb: {  	[tilespmem:s7], [sflag:$0x1] =	stream.linear.gather [hbm4b:s2+s3], $0x200, $0x38;
	[tilespmem:$0x2EA0] =	vst v63  }
0xc: {  	_ =	swait.ge [sflag:s31], $0x200  }
0xd: {  	[sflag:s31] =	ssyncset.done $0x0  }
0xe: {  	v0 =	vimm.f32 $0.0e+00;
	s2 =	simm.s32 $0x40;
	s3 =	simm.s32 $0x0;
	[sflag:s31] =	ssyncadd.s32 $0xFFFFFE00  }
.LBB2_1:
0xf: {  	p0 =	sne.s32 s2, $0x3FC0;
	[tilespmem:s3+$0x400] =	vst v0;
	s3 =	smov.u32 s2;
	s2 =	sadd.s32 $0x40, s2  }
.Ltmp0:
0x10: {  	(pc) =	sbr.rel @p0 .LBB2_1-.Ltmp0, $2  }
0x11: {  	_ =	sdelay $0x2  }
0x12: {  	s3 =	sshra.s32 s3, $0x2  }
0x13: {  	[tilespmem:s3+$0x400] =	vst v0;
	s2 =	simm.s32 $0x0  }
0x14: {  	v0 =	vld [tilespmem:s2+$0x0];
	_ =	sdelay $0x4  }
0x15: {  	v0 =	vadd.f32 $2.000000000e+00, v0;
	_ =	sdelay $0x1  }
0x16: {  	v2 =	vmul.f32 $2.500000000e-01, v0;
	_ =	sdelay $0x1  }
0x17: {  	v0 =	vtrunc.f32 v2  }
0x18: {  	v3 =	vcvt.f32.s32 v0;
	_ =	sdelay $0x1  }
0x19: {  	v0 =	vlaneseq.u32;
	v4 =	vadd.s32 $0xFFFFFFFF, v3  }
0x1a: {  	v1 =	vmul.u32 $0x80, v0;
	vm0 =	vgt.s32 v4, $0x0  }
0x1b: {  	s3 =	sshll.u32 s5, $0x9;
	v5 =	vcvt.s32.f32 v3;
	vm14 =	vgt.s32 v3, $0x0;
	v6 =	vnsel vm0, $0x0, v4  }
0x1c: {  	v7 =	vmov s3;
	v8 =	vnsel vm14, $0x0, v3;
	v6 =	vmin.u32 v6, $0x7F  }
0x1d: {  	v9 =	vld [tilespmem:s2+$0x200];
	v5 =	vsub.f32 v2, v5;
	v8 =	vmin.u32 v8, $0x7F;
	v10 =	vor.u32 v1, v6  }
0x1e: {  	vm15 =	vne.s32 v7, v0;
	v2 =	vor.u32 $0x800, v1;
	v7 =	vor.u32 v1, v8  }
0x1f: {  	vm1 =	vlt.u32 v4, $0x80;
	v11 =	vsub.f32 $1.000000000e+00, v5;
	v4 =	vor.u32 v2, v6  }
0x20: {  	vm2 =	vlt.u32 v3, $0x80;
	vm1 =	vmand vm15, vm1;
	v3 =	vor.u32 v2, v8  }
0x21: {  	s2 =	simm.s32 $0x400;
	vm0 =	vmand vm15, vm2;
	v6 =	vnsel vm1, $0x0, v11  }
0x22: {  	v5 =	vnsel vm0, $0x0, v5;
	[tilespmem:v10+s2+$0x0] =	vst.idx.add.f32.msk $0xffff, v6;
	v6 =	vmul.f32 v6, v9  }
0x23: {  	[tilespmem:v7+s2+$0x0] =	vst.idx.add.f32.msk $0xffff, v5;
	v5 =	vmul.f32 v5, v9  }
0x24: {  	[tilespmem:v4+s2+$0x0] =	vst.idx.add.f32.msk $0xffff, v6  }
0x25: {  	s6 =	simm.s32 $0x10;
	[tilespmem:v3+s2+$0x0] =	vst.idx.add.f32.msk $0xffff, v5  }
0x26: {  	v3 =	vimm.f32 $0.0e+00;
	v5 =	vld [tilespmem:s6+$0x0]  }
0x27: {  	v4 =	vadd.f32 v9, v3;
	v3 =	vld [tilespmem:s6+$0x200]  }
0x28: {  	s6 =	simm.s32 $0x80  }
.LBB2_3:
0x29: {  	p0 =	sne.s32 s6, $0x7C0;
	_ =	sdelay $0x1  }
0x2a: {  	v5 =	vadd.f32 $2.000000000e+00, v5  }
0x2b: {  	v4 =	vadd.f32 v3, v4  }
0x2c: {  	v5 =	vmul.f32 $2.500000000e-01, v5;
	_ =	sdelay $0x1  }
0x2d: {  	v6 =	vtrunc.f32 v5  }
0x2e: {  	v6 =	vcvt.f32.s32 v6;
	_ =	sdelay $0x1  }
0x2f: {  	v7 =	vadd.s32 $0xFFFFFFFF, v6  }
0x30: {  	vm0 =	vgt.s32 v7, $0x0  }
0x31: {  	s3 =	sadd.s32 $0x10, s3;
	v8 =	vcvt.s32.f32 v6;
	v9 =	vnsel vm0, $0x0, v7;
	vm0 =	vgt.s32 v6, $0x0  }
0x32: {  	v10 =	vmov s3;
	v9 =	vmin.u32 v9, $0x7F;
	v11 =	vnsel vm0, $0x0, v6  }
0x33: {  	v5 =	vsub.f32 v5, v8;
	v8 =	vmin.u32 v11, $0x7F;
	v11 =	vor.u32 v1, v9  }
0x34: {  	vm0 =	vne.s32 v10, v0;
	v10 =	vor.u32 v1, v8  }
0x35: {  	vm1 =	vlt.u32 v7, $0x80;
	v12 =	vsub.f32 $1.000000000e+00, v5;
	v7 =	vor.u32 v2, v9  }
0x36: {  	vm2 =	vlt.u32 v6, $0x80;
	vm1 =	vmand vm0, vm1;
	v6 =	vor.u32 v2, v8  }
0x37: {  	vm0 =	vmand vm0, vm2;
	v8 =	vnsel vm1, $0x0, v12  }
0x38: {  	v5 =	vnsel vm0, $0x0, v5;
	[tilespmem:v11+s2+$0x0] =	vst.idx.add.f32.msk $0xffff, v8;
	v8 =	vmul.f32 v8, v3  }
0x39: {  	v3 =	vmul.f32 v5, v3;
	[tilespmem:v10+s2+$0x0] =	vst.idx.add.f32.msk $0xffff, v5  }
.Ltmp1:
0x3a: {  	[tilespmem:v7+s2+$0x0] =	vst.idx.add.f32.msk $0xffff, v8;
	(pc) =	sbr.rel @p0 .LBB2_3-.Ltmp1, $4  }
0x3b: {  	s7 =	sshra.s32 s6, $0x2;
	[tilespmem:v6+s2+$0x0] =	vst.idx.add.f32.msk $0xffff, v3  }
0x3c: {  	v5 =	vld [tilespmem:s7+$0x0]  }
0x3d: {  	v3 =	vld [tilespmem:s7+$0x200]  }
0x3e: {  	s6 =	sadd.s32 $0x40, s6  }
0x3f: {  	_ =	sdelay $0x1  }
0x40: {  	v5 =	vadd.f32 $2.000000000e+00, v5;
	_ =	sdelay $0x1  }
0x41: {  	v5 =	vmul.f32 $2.500000000e-01, v5;
	_ =	sdelay $0x1  }
0x42: {  	v6 =	vtrunc.f32 v5  }
0x43: {  	v4 =	vadd.f32 v3, v4;
	v6 =	vcvt.f32.s32 v6;
	_ =	sdelay $0x1  }
0x44: {  	(xrf2) =	vadd.scan.msk.f32 $0xffff, v4;
	v7 =	vadd.s32 $0xFFFFFFFF, v6  }
0x45: {  	vm0 =	vgt.s32 v7, $0x0  }
0x46: {  	s3 =	sadd.s32 $0x10, s3;
	v4 =	vcvt.s32.f32 v6;
	vm14 =	vgt.s32 v6, $0x0;
	v8 =	vnsel vm0, $0x0, v7  }
0x47: {  	v9 =	vmov s3;
	v10 =	vnsel vm14, $0x0, v6;
	v8 =	vmin.u32 v8, $0x7F  }
0x48: {  	v4 =	vsub.f32 v5, v4;
	v5 =	vmin.u32 v10, $0x7F;
	v63 =	vor.u32 v1, v8  }
0x49: {  	vm15 =	vne.s32 v9, v0;
	v0 =	vor.u32 v1, v5  }
0x4a: {  	vm1 =	vlt.u32 v7, $0x80;
	v1 =	vsub.f32 $1.000000000e+00, v4;
	v7 =	vor.u32 v2, v8  }
0x4b: {  	vm2 =	vlt.u32 v6, $0x80;
	vm1 =	vmand vm15, vm1;
	v2 =	vor.u32 v2, v5  }
0x4c: {  	vm0 =	vmand vm15, vm2;
	v1 =	vnsel vm1, $0x0, v1  }
0x4d: {  	v4 =	vnsel vm0, $0x0, v4;
	[tilespmem:v63+s2+$0x0] =	vst.idx.add.f32.msk $0xffff, v1;
	v1 =	vmul.f32 v1, v3  }
0x4e: {  	[tilespmem:v0+s2+$0x0] =	vst.idx.add.f32.msk $0xffff, v4;
	v0 =	vmul.f32 v4, v3;
	v3, _, _ =	vpop (xrf2)  }
0x4f: {  	[tilespmem:v7+s2+$0x0] =	vst.idx.add.f32.msk $0xffff, v1;
	v1 =	vbroadcast v3, $0xF  }
0x50: {  	[tilespmem:v2+s2+$0x0] =	vst.idx.add.f32.msk $0xffff, v0  }
0x51: {  	v0 =	vimm.f32 $0.0e+00;
	[tilespmem:$0x1500] =	vst v1  }
0x52: {  	[tilespmem:$0x1510] =	vst v0  }
0x53: {  	[bflag:$0x0] =	sbarrier.arrive $0xFFFF  }
0x54: {  	_ =	sdelay $0x7ff  }
0x55: {  	s2 =	simm.s32 $0x0;
	_ =	sdelay $0x36b  }
0x56: {  	v0 =	vld [tilespmem:s2+$0xC00]  }
0x57: {  	v1 =	vld [tilespmem:s2+$0x400]  }
0x58: {  	v2 =	vld [tilespmem:s2+$0xC80]  }
0x59: {  	v3 =	vld [tilespmem:s2+$0x480]  }
0x5a: {  	v4 =	vld [tilespmem:s2+$0xD00]  }
0x5b: {  	v5 =	vld [tilespmem:s2+$0x500];
	v0 =	vadd.f32 $0.0e+00, v0  }
0x5c: {  	v6 =	vld [tilespmem:s2+$0xD80];
	v1 =	vadd.f32 $0.0e+00, v1  }
0x5d: {  	v7 =	vld [tilespmem:s2+$0x580];
	v0 =	vadd.f32 v2, v0  }
0x5e: {  	v2 =	vld [tilespmem:s2+$0xE00];
	v1 =	vadd.f32 v3, v1  }
0x5f: {  	v3 =	vld [tilespmem:s2+$0x600];
	v0 =	vadd.f32 v4, v0  }
0x60: {  	v4 =	vld [tilespmem:s2+$0xE80];
	v1 =	vadd.f32 v5, v1  }
0x61: {  	v5 =	vld [tilespmem:s2+$0x680];
	v0 =	vadd.f32 v6, v0  }
0x62: {  	v6 =	vld [tilespmem:s2+$0xF00];
	v1 =	vadd.f32 v7, v1  }
0x63: {  	v7 =	vld [tilespmem:s2+$0x700];
	v0 =	vadd.f32 v2, v0  }
0x64: {  	v2 =	vld [tilespmem:s2+$0xF80];
	v1 =	vadd.f32 v3, v1  }
0x65: {  	v3 =	vld [tilespmem:s2+$0x780];
	v0 =	vadd.f32 v4, v0  }
0x66: {  	v4 =	vld [tilespmem:s2+$0x1000];
	v1 =	vadd.f32 v5, v1  }
0x67: {  	v5 =	vld [tilespmem:s2+$0x800];
	v0 =	vadd.f32 v6, v0  }
0x68: {  	v6 =	vld [tilespmem:s2+$0x1080];
	v1 =	vadd.f32 v7, v1  }
0x69: {  	v7 =	vld [tilespmem:s2+$0x880];
	v0 =	vadd.f32 v2, v0  }
0x6a: {  	v2 =	vld [tilespmem:s2+$0x1100];
	v1 =	vadd.f32 v3, v1  }
0x6b: {  	v3 =	vld [tilespmem:s2+$0x900];
	v0 =	vadd.f32 v4, v0  }
0x6c: {  	v4 =	vld [tilespmem:s2+$0x1180];
	v1 =	vadd.f32 v5, v1  }
0x6d: {  	v5 =	vld [tilespmem:s2+$0x980];
	v0 =	vadd.f32 v6, v0  }
0x6e: {  	v6 =	vld [tilespmem:s2+$0x1200];
	v1 =	vadd.f32 v7, v1  }
0x6f: {  	v7 =	vld [tilespmem:s2+$0xA00];
	v2 =	vadd.f32 v2, v0  }
0x70: {  	v8 =	vld [tilespmem:s2+$0x1280];
	v1 =	vadd.f32 v3, v1  }
0x71: {  	v0 =	vld [tilespmem:s2+$0xA80];
	v3 =	vadd.f32 v4, v2  }
0x72: {  	v2 =	vld [tilespmem:s2+$0x1300];
	v4 =	vadd.f32 v5, v1  }
0x73: {  	v1 =	vld [tilespmem:s2+$0xB00];
	v6 =	vadd.f32 v6, v3  }
0x74: {  	v3 =	vld [tilespmem:s2+$0x1380];
	v5 =	vadd.f32 v7, v4  }
0x75: {  	s6 =	simm.s32 $0x80;
	s3 =	simm.s32 $0x10;
	v4 =	vld [tilespmem:s2+$0xB80];
	v6 =	vadd.f32 v8, v6  }
.LBB2_5:
0x76: {  	p0 =	sne.s32 s6, $0x1C0;
	v7 =	vld [tilespmem:s3+$0xC00];
	v0 =	vadd.f32 v0, v5  }
0x77: {  	v5 =	vld [tilespmem:s3+$0x400];
	v2 =	vadd.f32 v2, v6  }
0x78: {  	v6 =	vld [tilespmem:s3+$0xC80];
	v0 =	vadd.f32 v1, v0  }
0x79: {  	v1 =	vld [tilespmem:s3+$0x480];
	v2 =	vadd.f32 v3, v2  }
0x7a: {  	v3 =	vld [tilespmem:s3+$0xD00];
	v0 =	vadd.f32 v4, v0  }
0x7b: {  	v4 =	vld [tilespmem:s3+$0x500];
	v7 =	vadd.f32 $0.0e+00, v7;
	[tilespmem:s2+$0x1480] =	vst v2  }
0x7c: {  	v2 =	vld [tilespmem:s3+$0xD80];
	v5 =	vadd.f32 $0.0e+00, v5;
	[tilespmem:s2+$0x1400] =	vst v0;
	s2 =	smov.u32 s3  }
0x7d: {  	v0 =	vld [tilespmem:s2+$0x580];
	v6 =	vadd.f32 v6, v7  }
0x7e: {  	v7 =	vld [tilespmem:s2+$0xE00];
	v1 =	vadd.f32 v1, v5  }
0x7f: {  	v5 =	vld [tilespmem:s2+$0x600];
	v3 =	vadd.f32 v3, v6  }
0x80: {  	v6 =	vld [tilespmem:s2+$0xE80];
	v1 =	vadd.f32 v4, v1  }
0x81: {  	v4 =	vld [tilespmem:s2+$0x680];
	v2 =	vadd.f32 v2, v3  }
0x82: {  	v3 =	vld [tilespmem:s2+$0xF00];
	v0 =	vadd.f32 v0, v1  }
0x83: {  	v1 =	vld [tilespmem:s2+$0x700];
	v2 =	vadd.f32 v7, v2  }
0x84: {  	v7 =	vld [tilespmem:s2+$0xF80];
	v0 =	vadd.f32 v5, v0  }
0x85: {  	v5 =	vld [tilespmem:s2+$0x780];
	v2 =	vadd.f32 v6, v2  }
0x86: {  	v6 =	vld [tilespmem:s2+$0x1000];
	v0 =	vadd.f32 v4, v0  }
0x87: {  	v4 =	vld [tilespmem:s2+$0x800];
	v2 =	vadd.f32 v3, v2  }
0x88: {  	v3 =	vld [tilespmem:s2+$0x1080];
	v0 =	vadd.f32 v1, v0  }
0x89: {  	v1 =	vld [tilespmem:s2+$0x880];
	v2 =	vadd.f32 v7, v2  }
0x8a: {  	v7 =	vld [tilespmem:s2+$0x1100];
	v0 =	vadd.f32 v5, v0  }
0x8b: {  	v5 =	vld [tilespmem:s2+$0x900];
	v2 =	vadd.f32 v6, v2  }
0x8c: {  	v6 =	vld [tilespmem:s2+$0x1180];
	v0 =	vadd.f32 v4, v0  }
0x8d: {  	v4 =	vld [tilespmem:s2+$0x980];
	v2 =	vadd.f32 v3, v2  }
0x8e: {  	v3 =	vld [tilespmem:s2+$0x1200];
	v0 =	vadd.f32 v1, v0  }
0x8f: {  	v8 =	vld [tilespmem:s2+$0xA00];
	v1 =	vadd.f32 v7, v2  }
0x90: {  	v7 =	vld [tilespmem:s2+$0x1280];
	v5 =	vadd.f32 v5, v0  }
.Ltmp2:
0x91: {  	v0 =	vld [tilespmem:s2+$0xA80];
	v6 =	vadd.f32 v6, v1;
	(pc) =	sbr.rel @p0 .LBB2_5-.Ltmp2, $4  }
0x92: {  	v2 =	vld [tilespmem:s2+$0x1300];
	v4 =	vadd.f32 v4, v5  }
0x93: {  	v1 =	vld [tilespmem:s2+$0xB00];
	v6 =	vadd.f32 v3, v6  }
0x94: {  	v3 =	vld [tilespmem:s2+$0x1380];
	v5 =	vadd.f32 v8, v4  }
0x95: {  	s3 =	sshra.s32 s6, $0x2;
	s6 =	sadd.s32 $0x40, s6;
	v4 =	vld [tilespmem:s2+$0xB80];
	v6 =	vadd.f32 v7, v6  }
0x96: {  	v7 =	vld [tilespmem:s3+$0xC00];
	v0 =	vadd.f32 v0, v5  }
0x97: {  	v8 =	vld [tilespmem:s3+$0x400];
	v2 =	vadd.f32 v2, v6  }
0x98: {  	v32 =	vld [tilespmem:s3+$0xC80];
	v0 =	vadd.f32 v1, v0  }
0x99: {  	v33 =	vld [tilespmem:s3+$0x480];
	v34 =	vadd.f32 v3, v2  }
0x9a: {  	v35 =	vld [tilespmem:s3+$0xD00];
	v0 =	vadd.f32 v4, v0  }
0x9b: {  	v36 =	vld [tilespmem:s3+$0x500];
	[tilespmem:s2+$0x1480] =	vst v34;
	v37 =	vadd.f32 $0.0e+00, v7  }
0x9c: {  	v39 =	vadd.f32 $0.0e+00, v8;
	v38 =	vld [tilespmem:s3+$0xD80];
	[tilespmem:s2+$0x1400] =	vst v0  }
0x9d: {  	v0 =	vld [tilespmem:s3+$0x580];
	v1 =	vadd.f32 v32, v37  }
0x9e: {  	v40 =	vld [tilespmem:s3+$0xE00];
	v6 =	vadd.f32 v33, v39  }
0x9f: {  	v41 =	vld [tilespmem:s3+$0x600];
	v1 =	vadd.f32 v35, v1  }
0xa0: {  	v42 =	vld [tilespmem:s3+$0xE80];
	v3 =	vadd.f32 v36, v6  }
0xa1: {  	v43 =	vld [tilespmem:s3+$0x680];
	v1 =	vadd.f32 v38, v1  }
0xa2: {  	v44 =	vld [tilespmem:s3+$0xF00];
	v0 =	vadd.f32 v0, v3  }
0xa3: {  	v45 =	vld [tilespmem:s3+$0x700];
	v1 =	vadd.f32 v40, v1  }
0xa4: {  	v46 =	vld [tilespmem:s3+$0xF80];
	v0 =	vadd.f32 v41, v0  }
0xa5: {  	v47 =	vld [tilespmem:s3+$0x780];
	v1 =	vadd.f32 v42, v1  }
0xa6: {  	v48 =	vld [tilespmem:s3+$0x1000];
	v0 =	vadd.f32 v43, v0  }
0xa7: {  	v49 =	vld [tilespmem:s3+$0x800];
	v1 =	vadd.f32 v44, v1  }
0xa8: {  	v50 =	vld [tilespmem:s3+$0x1080];
	v0 =	vadd.f32 v45, v0  }
0xa9: {  	v51 =	vld [tilespmem:s3+$0x880];
	v1 =	vadd.f32 v46, v1  }
0xaa: {  	v52 =	vld [tilespmem:s3+$0x1100];
	v0 =	vadd.f32 v47, v0  }
0xab: {  	v53 =	vld [tilespmem:s3+$0x900];
	v1 =	vadd.f32 v48, v1  }
0xac: {  	v54 =	vld [tilespmem:s3+$0x1180];
	v0 =	vadd.f32 v49, v0  }
0xad: {  	v55 =	vld [tilespmem:s3+$0x980];
	v1 =	vadd.f32 v50, v1  }
0xae: {  	v56 =	vld [tilespmem:s3+$0x1200];
	v0 =	vadd.f32 v51, v0  }
0xaf: {  	v57 =	vld [tilespmem:s3+$0xA00];
	v1 =	vadd.f32 v52, v1  }
0xb0: {  	v58 =	vld [tilespmem:s3+$0x1280];
	v0 =	vadd.f32 v53, v0  }
0xb1: {  	v59 =	vld [tilespmem:s3+$0xA80];
	v1 =	vadd.f32 v54, v1  }
0xb2: {  	v60 =	vld [tilespmem:s3+$0x1300];
	v0 =	vadd.f32 v55, v0  }
0xb3: {  	v61 =	vld [tilespmem:s3+$0xB00];
	v1 =	vadd.f32 v56, v1  }
0xb4: {  	v62 =	vld [tilespmem:s3+$0x1380];
	v0 =	vadd.f32 v57, v0  }
0xb5: {  	v63 =	vld [tilespmem:s3+$0xB80];
	v1 =	vadd.f32 v58, v1  }
0xb6: {  	v0 =	vadd.f32 v59, v0  }
0xb7: {  	s30 =	sshrl.u32 s5, $0x3;
	v1 =	vadd.f32 v60, v1  }
0xb8: {  	s2 =	smul.u32 $0x3000, s30;
	v0 =	vadd.f32 v61, v0  }
0xb9: {  	v1 =	vadd.f32 v62, v1  }
0xba: {  	s6 =	sshll.u32 s5, $0x7;
	s2 =	sshrl.u32 s2, $0x2;
	v0 =	vadd.f32 v63, v0  }
0xbb: {  	s31 =	simm.s32 $0x80;
	s6 =	sand.u32 $0x380, s6;
	s2 =	sadd.s32 s2, s4;
	[tilespmem:s3+$0x1480] =	vst v1  }
0xbc: {  	s7 =	simm.s32 $0x400;
	s2 =	sadd.s32 s6, s2;
	[tilespmem:s3+$0x1400] =	vst v0;
	s3 =	simm.s32 $0x1400  }
0xbd: {  	[spmem:s2] =	stream.strided.scatter [tilespmem:s3], [sflag:$0x1], $0x180, s7, s31, $0x38;
	[tilespmem:$0x2EA0] =	vst v63  }
0xbe: {  	s2 =	simm.s32 $0x1  }
0xbf: {  	_ =	swait.ge [sflag:s2], $0x180  }
0xc0: {  	[sflag:s2] =	ssyncset.done $0x0  }
0xc1: {  	[sflag:s2] =	ssyncadd.s32 $0xFFFFFE80  }
0xc2: {  	p0 =	sne.s32 s5, $0x0;
	[bflag:$0x0] =	sbarrier.arrive $0xFFFF  }
0xc3: {  	_ =	sfence.sel @p0 $0x180000  }
0xc4: {  	[bflag:$0x0] =	sbarrier.arrive @p0 $0xFFFF  }
0xc5: {  	_ =	strace @p0 $0x90000047  }
0xc6: {  	[bflag:$0x2] =	sbarrier.arrive @p0 $0xFFFF  }
0xc7: {  	_ =	shalt @p0  }
.LBB2_7:
0xc8: {  	s5 =	simm.s32 $0x1580  }
0xc9: {  	[tilespmem:s5], [sflag:$0x1] =	stream.linear.gather [spmem:s4], $0x1800, $0x38;
	[tilespmem:$0x2EA0] =	vst v63  }
0xca: {  	_ =	swait.ge [sflag:s2], $0x1800  }
0xcb: {  	[sflag:s2] =	ssyncset.done $0x0  }
0xcc: {  	[sflag:s2] =	ssyncadd.s32 $0xFFFFE800  }
0xcd: {  	v0 =	vld [tilespmem:$0x1580]  }
0xce: {  	v49 =	vld [tilespmem:$0x1600]  }
0xcf: {  	v50 =	vld [tilespmem:$0x1680]  }
0xd0: {  	v51 =	vld [tilespmem:$0x1700]  }
0xd1: {  	v52 =	vld [tilespmem:$0x1780]  }
0xd2: {  	v53 =	vld [tilespmem:$0x1800]  }
0xd3: {  	v54 =	vld [tilespmem:$0x1880]  }
0xd4: {  	v55 =	vld [tilespmem:$0x1900]  }
0xd5: {  	v56 =	vld [tilespmem:$0x2180]  }
0xd6: {  	v57 =	vld [tilespmem:$0x2200]  }
0xd7: {  	v58 =	vld [tilespmem:$0x2280]  }
0xd8: {  	v59 =	vld [tilespmem:$0x2300]  }
0xd9: {  	v60 =	vld [tilespmem:$0x2380]  }
0xda: {  	v61 =	vld [tilespmem:$0x2400]  }
0xdb: {  	v62 =	vld [tilespmem:$0x2480]  }
0xdc: {  	v63 =	vld [tilespmem:$0x2500]  }
0xdd: {  	v4 =	vld [tilespmem:$0x1980]  }
0xde: {  	v5 =	vld [tilespmem:$0x1A00]  }
0xdf: {  	v6 =	vld [tilespmem:$0x1A80]  }
0xe0: {  	v7 =	vld [tilespmem:$0x1B00]  }
0xe1: {  	v8 =	vld [tilespmem:$0x1B80]  }
0xe2: {  	v9 =	vld [tilespmem:$0x1C00]  }
0xe3: {  	v10 =	vld [tilespmem:$0x1C80]  }
0xe4: {  	v11 =	vld [tilespmem:$0x1D00]  }
0xe5: {  	v12 =	vld [tilespmem:$0x2580]  }
0xe6: {  	v13 =	vld [tilespmem:$0x2600]  }
0xe7: {  	v14 =	vld [tilespmem:$0x2680]  }
0xe8: {  	v15 =	vld [tilespmem:$0x2700]  }
0xe9: {  	v16 =	vld [tilespmem:$0x2780]  }
0xea: {  	v17 =	vld [tilespmem:$0x2800]  }
0xeb: {  	v18 =	vld [tilespmem:$0x2880]  }
0xec: {  	v19 =	vld [tilespmem:$0x2900]  }
0xed: {  	v20 =	vld [tilespmem:$0x1590]  }
0xee: {  	v21 =	vld [tilespmem:$0x1610]  }
0xef: {  	v22 =	vld [tilespmem:$0x1690]  }
0xf0: {  	v23 =	vld [tilespmem:$0x1710]  }
0xf1: {  	v24 =	vld [tilespmem:$0x1790]  }
0xf2: {  	v25 =	vld [tilespmem:$0x1810]  }
0xf3: {  	v26 =	vld [tilespmem:$0x1890]  }
0xf4: {  	v27 =	vld [tilespmem:$0x1910]  }
0xf5: {  	v28 =	vld [tilespmem:$0x2190]  }
0xf6: {  	v29 =	vld [tilespmem:$0x2210]  }
0xf7: {  	v30 =	vld [tilespmem:$0x2290]  }
0xf8: {  	v31 =	vld [tilespmem:$0x2310]  }
0xf9: {  	v32 =	vld [tilespmem:$0x2390]  }
0xfa: {  	v33 =	vld [tilespmem:$0x2410]  }
0xfb: {  	v34 =	vld [tilespmem:$0x17A0]  }
0xfc: {  	v35 =	vld [tilespmem:$0x1820]  }
0xfd: {  	v36 =	vld [tilespmem:$0x18A0]  }
0xfe: {  	v37 =	vld [tilespmem:$0x1920]  }
0xff: {  	v38 =	vld [tilespmem:$0x21A0]  }
0x100: {  	v39 =	vld [tilespmem:$0x2220]  }
0x101: {  	v40 =	vld [tilespmem:$0x22A0]  }
0x102: {  	v41 =	vld [tilespmem:$0x2320]  }
0x103: {  	v42 =	vld [tilespmem:$0x23A0]  }
0x104: {  	v43 =	vld [tilespmem:$0x25A0]  }
0x105: {  	v44 =	vld [tilespmem:$0x2620]  }
0x106: {  	v45 =	vld [tilespmem:$0x26A0]  }
0x107: {  	v46 =	vld [tilespmem:$0x2720]  }
0x108: {  	v47 =	vld [tilespmem:$0x27A0]  }
0x109: {  	v48 =	vld [tilespmem:$0x1660]  }
0x10a: {  	v1 =	vld [tilespmem:$0x16E0]  }
0x10b: {  	v2 =	vld [tilespmem:$0x19E0]  }
0x10c: {  	v3 =	vld [tilespmem:$0x1670]  }
0x10d: {  	[tilespmem:$0x1FE90] =	vst v56;
	v56 =	vld [tilespmem:$0x15A0]  }
0x10e: {  	[tilespmem:$0x1FEF0] =	vst v58;
	v58 =	vld [tilespmem:$0x1620]  }
0x10f: {  	[tilespmem:$0x1FF50] =	vst v60;
	v60 =	vld [tilespmem:$0x16A0]  }
0x110: {  	[tilespmem:$0x1FFB0] =	vst v62;
	v62 =	vld [tilespmem:$0x1720]  }
0x111: {  	[tilespmem:$0x1FDD0] =	vst v52;
	v52 =	vld [tilespmem:$0x19A0]  }
0x112: {  	[tilespmem:$0x1FE00] =	vst v53;
	v53 =	vld [tilespmem:$0x1A20]  }
0x113: {  	[tilespmem:$0x1FE30] =	vst v54;
	v54 =	vld [tilespmem:$0x1AA0]  }
0x114: {  	[tilespmem:$0x1FE60] =	vst v55;
	v55 =	vld [tilespmem:$0x1B20]  }
0x115: {  	[tilespmem:$0x1FEC0] =	vst v57;
	v57 =	vld [tilespmem:$0x1BA0]  }
0x116: {  	[tilespmem:$0x1FF20] =	vst v59;
	v59 =	vld [tilespmem:$0x1C20]  }
0x117: {  	[tilespmem:$0x1FF80] =	vst v61;
	v61 =	vld [tilespmem:$0x1CA0]  }
0x118: {  	[tilespmem:$0x1FFD0] =	vst v63;
	v63 =	vld [tilespmem:$0x1D20]  }
0x119: {  	[tilespmem:$0x1FDA0] =	vst v51;
	v51 =	vld [tilespmem:$0x15B0]  }
0x11a: {  	[tilespmem:$0x1FD70] =	vst v50;
	v50 =	vld [tilespmem:$0x19B0]  }
0x11b: {  	[tilespmem:$0x1FDC0] =	vst v23;
	v23 =	vld [tilespmem:$0x15C0]  }
0x11c: {  	[tilespmem:$0x1FDF0] =	vst v24;
	v24 =	vld [tilespmem:$0x1640]  }
0x11d: {  	[tilespmem:$0x1FE80] =	vst v27;
	v27 =	vld [tilespmem:$0x16C0]  }
0x11e: {  	[tilespmem:$0x1FEE0] =	vst v29;
	v29 =	vld [tilespmem:$0x1740]  }
0x11f: {  	[tilespmem:$0x1FF40] =	vst v31;
	v31 =	vld [tilespmem:$0x17C0]  }
0x120: {  	[tilespmem:$0x1FFA0] =	vst v33;
	v33 =	vld [tilespmem:$0x1840]  }
0x121: {  	[tilespmem:$0x1FC40] =	vst v35;
	v35 =	vld [tilespmem:$0x18C0]  }
0x122: {  	[tilespmem:$0x1FC60] =	vst v37;
	v37 =	vld [tilespmem:$0x1940]  }
0x123: {  	[tilespmem:$0x1FCA0] =	vst v39;
	v39 =	vld [tilespmem:$0x21C0]  }
0x124: {  	[tilespmem:$0x1FCE0] =	vst v41;
	v41 =	vld [tilespmem:$0x2240]  }
0x125: {  	[tilespmem:$0x1FC70] =	vst v43;
	v43 =	vld [tilespmem:$0x22C0]  }
0x126: {  	[tilespmem:$0x1FC90] =	vst v44;
	v44 =	vld [tilespmem:$0x2340]  }
0x127: {  	[tilespmem:$0x1FCB0] =	vst v45;
	v45 =	vld [tilespmem:$0x23C0]  }
0x128: {  	[tilespmem:$0x1FCF0] =	vst v47;
	v47 =	vld [tilespmem:$0x2440]  }
0x129: {  	[tilespmem:$0x1FD40] =	vst v20;
	v20 =	vld [tilespmem:$0x19C0]  }
0x12a: {  	[tilespmem:$0x1FD60] =	vst v21;
	v21 =	vld [tilespmem:$0x1A40]  }
0x12b: {  	[tilespmem:$0x1FD90] =	vst v22;
	v22 =	vld [tilespmem:$0x1AC0]  }
0x12c: {  	[tilespmem:$0x1FE20] =	vst v25;
	v25 =	vld [tilespmem:$0x1B40]  }
0x12d: {  	[tilespmem:$0x1FE50] =	vst v26;
	v26 =	vld [tilespmem:$0x1BC0]  }
0x12e: {  	[tilespmem:$0x1FEB0] =	vst v28;
	v28 =	vld [tilespmem:$0x1C40]  }
0x12f: {  	[tilespmem:$0x1FF10] =	vst v30;
	v30 =	vld [tilespmem:$0x1CC0]  }
0x130: {  	[tilespmem:$0x1FF70] =	vst v32;
	v32 =	vld [tilespmem:$0x1D40]  }
0x131: {  	[tilespmem:$0x1FC30] =	vst v34;
	v34 =	vld [tilespmem:$0x25C0]  }
0x132: {  	[tilespmem:$0x1FC50] =	vst v36;
	v36 =	vld [tilespmem:$0x2640]  }
0x133: {  	[tilespmem:$0x1FC80] =	vst v38;
	v38 =	vld [tilespmem:$0x26C0]  }
0x134: {  	[tilespmem:$0x1FCC0] =	vst v40;
	v40 =	vld [tilespmem:$0x2740]  }
0x135: {  	[tilespmem:$0x1FD00] =	vst v42;
	v42 =	vld [tilespmem:$0x27C0]  }
0x136: {  	[tilespmem:$0x1FD30] =	vst v49;
	v49 =	vld [tilespmem:$0x19D0]  }
0x137: {  	[tilespmem:$0x1FCD0] =	vst v46;
	v46 =	vld [tilespmem:$0x15E0]  }
0x138: {  	[tilespmem:$0x1FD20] =	vst v4;
	v4 =	vld [tilespmem:$0x1760]  }
0x139: {  	[tilespmem:$0x1FDB0] =	vst v7;
	v7 =	vld [tilespmem:$0x17E0]  }
0x13a: {  	[tilespmem:$0x1FDE0] =	vst v8;
	v8 =	vld [tilespmem:$0x1860]  }
0x13b: {  	[tilespmem:$0x1FE70] =	vst v11;
	v11 =	vld [tilespmem:$0x18E0]  }
0x13c: {  	[tilespmem:$0x1FED0] =	vst v13;
	v13 =	vld [tilespmem:$0x1960]  }
0x13d: {  	[tilespmem:$0x1FF30] =	vst v15;
	v15 =	vld [tilespmem:$0x21E0]  }
0x13e: {  	[tilespmem:$0x1FF90] =	vst v17;
	v17 =	vld [tilespmem:$0x2260]  }
0x13f: {  	[tilespmem:$0x1FFC0] =	vst v18;
	v18 =	vld [tilespmem:$0x22E0]  }
0x140: {  	[tilespmem:$0x1FFE0] =	vst v19;
	v19 =	vld [tilespmem:$0x2360]  }
0x141: {  	[tilespmem:$0x1FD50] =	vst v5;
	v5 =	vld [tilespmem:$0x1A60]  }
0x142: {  	[tilespmem:$0x1FD80] =	vst v6;
	v6 =	vld [tilespmem:$0x1AE0]  }
0x143: {  	[tilespmem:$0x1FE10] =	vst v9;
	v9 =	vld [tilespmem:$0x1B60]  }
0x144: {  	[tilespmem:$0x1FD10] =	vst v0;
	v0 =	vld [tilespmem:$0x15F0]  }
0x145: {  	[tilespmem:$0x1FE40] =	vst v10;
	v10 =	vld [tilespmem:$0x1BE0]  }
0x146: {  	[tilespmem:$0x1FEA0] =	vst v12;
	v12 =	vld [tilespmem:$0x1C60]  }
0x147: {  	[tilespmem:$0x1FF00] =	vst v14;
	v14 =	vld [tilespmem:$0x1CE0];
	v2 =	vadd.f32 $0.0e+00, v2  }
0x148: {  	[tilespmem:$0x1FF60] =	vst v16;
	v16 =	vld [tilespmem:$0x1D60];
	v46 =	vadd.f32 $0.0e+00, v46  }
0x149: {  	v2 =	vadd.f32 v5, v2;
	v5 =	vld [tilespmem:$0x16F0];
	v0 =	vadd.f32 $0.0e+00, v0  }
0x14a: {  	v46 =	vadd.f32 v48, v46;
	v48 =	vld [tilespmem:$0x19F0]  }
0x14b: {  	v2 =	vadd.f32 v6, v2;
	v0 =	vadd.f32 v3, v0;
	v3 =	vld [tilespmem:$0x1C70]  }
0x14c: {  	v1 =	vadd.f32 v1, v46;
	v46 =	vld [tilespmem:$0x1A70]  }
0x14d: {  	v2 =	vadd.f32 v9, v2;
	v9 =	vld [tilespmem:$0x24B0]  }
0x14e: {  	v1 =	vadd.f32 v4, v1;
	v4 =	vld [tilespmem:$0x1AF0]  }
0x14f: {  	v0 =	vadd.f32 v5, v0;
	v5 =	vld [tilespmem:$0x1CF0];
	v48 =	vadd.f32 $0.0e+00, v48  }
0x150: {  	v1 =	vadd.f32 v7, v1;
	v7 =	vld [tilespmem:$0x1B70]  }
0x151: {  	v46 =	vadd.f32 v46, v48;
	v48 =	vld [tilespmem:$0x1770]  }
0x152: {  	v2 =	vadd.f32 v10, v2;
	v1 =	vadd.f32 v8, v1;
	v8 =	vld [tilespmem:$0x1BF0]  }
0x153: {  	v10 =	vld [tilespmem:$0x2490];
	v4 =	vadd.f32 v4, v46  }
0x154: {  	v2 =	vadd.f32 v12, v2;
	v46 =	vld [tilespmem:$0x1870];
	v1 =	vadd.f32 v11, v1  }
0x155: {  	v4 =	vadd.f32 v7, v4;
	v7 =	vld [tilespmem:$0x17F0]  }
0x156: {  	v2 =	vadd.f32 v14, v2;
	v11 =	vld [tilespmem:$0x15D0];
	v1 =	vadd.f32 v13, v1  }
0x157: {  	v0 =	vadd.f32 v48, v0;
	v48 =	vld [tilespmem:$0x1D70];
	v4 =	vadd.f32 v8, v4  }
0x158: {  	v2 =	vadd.f32 v16, v2;
	v1 =	vadd.f32 v15, v1;
	v15 =	vld [tilespmem:$0x25E0]  }
0x159: {  	v16 =	vadd.f32 $0.0e+00, v23;
	v13 =	vld [tilespmem:$0x18F0];
	v3 =	vadd.f32 v3, v4  }
0x15a: {  	v23 =	vld [tilespmem:$0x1750];
	v0 =	vadd.f32 v7, v0;
	v1 =	vadd.f32 v17, v1  }
0x15b: {  	v17 =	vld [tilespmem:$0x23E0];
	v3 =	vadd.f32 v5, v3  }
0x15c: {  	v0 =	vadd.f32 v46, v0;
	v1 =	vadd.f32 v18, v1;
	v18 =	vld [tilespmem:$0x1A50]  }
0x15d: {  	v3 =	vadd.f32 v48, v3;
	v48 =	vadd.f32 v15, v2;
	v15 =	vld [tilespmem:$0x1650]  }
0x15e: {  	v46 =	vadd.f32 v13, v0;
	v13 =	vld [tilespmem:$0x1AD0]  }
0x15f: {  	v12 =	vadd.f32 v19, v1;
	v19 =	vld [tilespmem:$0x16D0]  }
0x160: {  	v0 =	vadd.f32 v24, v16;
	v24 =	vld [tilespmem:$0x1C50]  }
0x161: {  	v16 =	vld [tilespmem:$0x25D0]  }
0x162: {  	[tilespmem:$0x1FFF0] =	vst v3;
	v3 =	vadd.f32 $0.0e+00, v11;
	v11 =	vld [tilespmem:$0x2510]  }
0x163: {  	v14 =	vadd.f32 $0.0e+00, v49;
	v49 =	vadd.f32 v17, v12;
	v17 =	vld [tilespmem:$0x1B50]  }
0x164: {  	v0 =	vadd.f32 v27, v0;
	v27 =	vld [tilespmem:$0x17D0]  }
0x165: {  	v12 =	vld [tilespmem:$0x1CD0]  }
0x166: {  	v2 =	vadd.f32 v18, v14;
	v18 =	vadd.f32 $0.0e+00, v20;
	v20 =	vld [tilespmem:$0x1BD0]  }
0x167: {  	v14 =	vld [tilespmem:$0x1D50]  }
0x168: {  	v3 =	vadd.f32 v15, v3;
	v15 =	vld [tilespmem:$0x18D0]  }
0x169: {  	v0 =	vadd.f32 v29, v0;
	v29 =	vld [tilespmem:$0x24C0]  }
0x16a: {  	v1 =	vadd.f32 v13, v2;
	v13 =	vld [tilespmem:$0x1850]  }
0x16b: {  	v21 =	vadd.f32 v21, v18;
	v18 =	vld [tilespmem:$0x2650]  }
0x16c: {  	v3 =	vadd.f32 v19, v3;
	v19 =	vld [tilespmem:$0x21D0]  }
0x16d: {  	v0 =	vadd.f32 v31, v0;
	v31 =	vld [tilespmem:$0x1A30]  }
0x16e: {  	v1 =	vadd.f32 v17, v1;
	v17 =	vld [tilespmem:$0x1950]  }
0x16f: {  	v2 =	vadd.f32 v22, v21;
	v21 =	vld [tilespmem:$0x2250]  }
0x170: {  	v22 =	vld [tilespmem:$0x2750]  }
0x171: {  	v3 =	vadd.f32 v23, v3;
	v23 =	vld [tilespmem:$0x22D0]  }
0x172: {  	v0 =	vadd.f32 v33, v0;
	v33 =	vld [tilespmem:$0x1630]  }
0x173: {  	v1 =	vadd.f32 v20, v1;
	v20 =	vld [tilespmem:$0x26D0]  }
0x174: {  	v2 =	vadd.f32 v25, v2;
	v25 =	vld [tilespmem:$0x2350]  }
0x175: {  	v3 =	vadd.f32 v27, v3;
	v27 =	vld [tilespmem:$0x23D0]  }
0x176: {  	v0 =	vadd.f32 v35, v0;
	v35 =	vadd.f32 $0.0e+00, v50;
	v50 =	vld [tilespmem:$0x1830]  }
0x177: {  	v1 =	vadd.f32 v24, v1;
	v24 =	vld [tilespmem:$0x27D0]  }
0x178: {  	v2 =	vadd.f32 v26, v2;
	v26 =	vld [tilespmem:$0x2850]  }
0x179: {  	v0 =	vadd.f32 v37, v0;
	v37 =	vadd.f32 $0.0e+00, v51;
	v51 =	vld [tilespmem:$0x1CB0]  }
0x17a: {  	v3 =	vadd.f32 v13, v3;
	v8 =	vadd.f32 v31, v35;
	v31 =	vld [tilespmem:$0x1FCD0]  }
0x17b: {  	v35 =	vld [tilespmem:$0x1990];
	v1 =	vadd.f32 v12, v1;
	v2 =	vadd.f32 v28, v2  }
0x17c: {  	v28 =	vld [tilespmem:$0x2840];
	v3 =	vadd.f32 v15, v3;
	v0 =	vadd.f32 v39, v0  }
0x17d: {  	v39 =	vadd.f32 $0.0e+00, v52;
	v52 =	vld [tilespmem:$0x18B0];
	v1 =	vadd.f32 v14, v1  }
0x17e: {  	v0 =	vadd.f32 v41, v0;
	v41 =	vadd.f32 $0.0e+00, v56;
	v56 =	vld [tilespmem:$0x25B0]  }
0x17f: {  	v3 =	vadd.f32 v17, v3;
	v17 =	vld [tilespmem:$0x1FC60]  }
0x180: {  	v1 =	vadd.f32 v16, v1;
	v16 =	vld [tilespmem:$0x22B0]  }
0x181: {  	v0 =	vadd.f32 v43, v0;
	v43 =	vadd.f32 v53, v39;
	v53 =	vld [tilespmem:$0x1D30]  }
0x182: {  	v2 =	vadd.f32 v30, v2;
	v5 =	vadd.f32 v58, v41;
	v58 =	vld [tilespmem:$0x1FC40]  }
0x183: {  	v3 =	vadd.f32 v19, v3;
	v19 =	vld [tilespmem:$0x1FC70]  }
0x184: {  	v2 =	vadd.f32 v32, v2;
	v39 =	vld [tilespmem:$0x1A90]  }
0x185: {  	v41 =	vld [tilespmem:$0x1FD30]  }
0x186: {  	v2 =	vadd.f32 v34, v2;
	v34 =	vld [tilespmem:$0x1AB0]  }
0x187: {  	v1 =	vadd.f32 v18, v1;
	v18 =	vld [tilespmem:$0x2730]  }
0x188: {  	v0 =	vadd.f32 v44, v0;
	v44 =	vld [tilespmem:$0x17B0]  }
0x189: {  	v5 =	vadd.f32 v60, v5;
	v60 =	vld [tilespmem:$0x2230]  }
0x18a: {  	v3 =	vadd.f32 v21, v3;
	v21 =	vld [tilespmem:$0x1FC80]  }
0x18b: {  	v2 =	vadd.f32 v36, v2;
	v36 =	vld [tilespmem:$0x16B0]  }
0x18c: {  	v1 =	vadd.f32 v20, v1;
	v20 =	vld [tilespmem:$0x2330]  }
0x18d: {  	v30 =	vadd.f32 v45, v0;
	v45 =	vld [tilespmem:$0x1C30]  }
0x18e: {  	v5 =	vadd.f32 v62, v5;
	v62 =	vld [tilespmem:$0x26B0]  }
0x18f: {  	v3 =	vadd.f32 v23, v3;
	v23 =	vld [tilespmem:$0x1FC90]  }
0x190: {  	v2 =	vadd.f32 v38, v2;
	v38 =	vld [tilespmem:$0x1B30]  }
0x191: {  	v1 =	vadd.f32 v22, v1;
	v22 =	vld [tilespmem:$0x27B0]  }
0x192: {  	v4 =	vadd.f32 v47, v30;
	v47 =	vadd.f32 v54, v43;
	v54 =	vld [tilespmem:$0x1930]  }
0x193: {  	v3 =	vadd.f32 v25, v3;
	v25 =	vld [tilespmem:$0x1FCA0]  }
0x194: {  	v30 =	vld [tilespmem:$0x2820]  }
0x195: {  	v7 =	vadd.f32 v34, v8;
	v34 =	vld [tilespmem:$0x1FCF0]  }
0x196: {  	v43 =	vld [tilespmem:$0x1FD40]  }
0x197: {  	v2 =	vadd.f32 v40, v2;
	v40 =	vld [tilespmem:$0x1730]  }
0x198: {  	v1 =	vadd.f32 v24, v1;
	v24 =	vld [tilespmem:$0x23B0]  }
0x199: {  	v32 =	vadd.f32 v42, v2;
	v42 =	vld [tilespmem:$0x1BB0]  }
0x19a: {  	v0 =	vadd.f32 v26, v1;
	v26 =	vld [tilespmem:$0x2830]  }
0x19b: {  	v2 =	vadd.f32 v27, v3;
	v27 =	vld [tilespmem:$0x1FCB0]  }
0x19c: {  	v1 =	vadd.f32 v29, v4;
	v29 =	vld [tilespmem:$0x1FCC0]  }
0x19d: {  	v4 =	vadd.f32 v33, v37;
	v33 =	vld [tilespmem:$0x1FCE0]  }
0x19e: {  	v37 =	vld [tilespmem:$0x1A10]  }
0x19f: {  	v6 =	vadd.f32 v38, v7;
	v7 =	vadd.f32 v55, v47;
	v55 =	vld [tilespmem:$0x1FC30]  }
0x1a0: {  	v38 =	vld [tilespmem:$0x1FD10]  }
0x1a1: {  	v47 =	vld [tilespmem:$0x1FD60]  }
0x1a2: {  	v3 =	vadd.f32 v28, v32;
	v28 =	vld [tilespmem:$0x2430]  }
0x1a3: {  	v32 =	vld [tilespmem:$0x2420]  }
0x1a4: {  	v4 =	vadd.f32 v36, v4;
	v36 =	vld [tilespmem:$0x1FD00]  }
0x1a5: {  	v7 =	vadd.f32 v57, v7;
	v57 =	vld [tilespmem:$0x21B0]  }
0x1a6: {  	v4 =	vadd.f32 v40, v4;
	v40 =	vld [tilespmem:$0x1FD20]  }
0x1a7: {  	v7 =	vadd.f32 v59, v7;
	v59 =	vld [tilespmem:$0x2630]  }
0x1a8: {  	v6 =	vadd.f32 v42, v6;
	v42 =	vld [tilespmem:$0x1B10]  }
0x1a9: {  	v4 =	vadd.f32 v44, v4;
	v44 =	vld [tilespmem:$0x1FD50]  }
0x1aa: {  	v5 =	vadd.f32 v55, v5;
	v55 =	vld [tilespmem:$0x1FDA0]  }
0x1ab: {  	v13 =	vadd.f32 $0.0e+00, v38;
	v38 =	vld [tilespmem:$0x1FE60]  }
0x1ac: {  	v7 =	vadd.f32 v61, v7;
	v61 =	vld [tilespmem:$0x1FC50]  }
0x1ad: {  	v6 =	vadd.f32 v45, v6;
	v45 =	vld [tilespmem:$0x1B90]  }
0x1ae: {  	v4 =	vadd.f32 v50, v4;
	v50 =	vld [tilespmem:$0x1FD70]  }
0x1af: {  	v5 =	vadd.f32 v58, v5;
	v58 =	vld [tilespmem:$0x2590]  }
0x1b0: {  	v13 =	vadd.f32 v41, v13;
	v41 =	vld [tilespmem:$0x1FE90]  }
0x1b1: {  	v6 =	vadd.f32 v51, v6;
	v51 =	vld [tilespmem:$0x1C10]  }
0x1b2: {  	v7 =	vadd.f32 v63, v7;
	v63 =	vld [tilespmem:$0x2690]  }
0x1b3: {  	v14 =	vadd.f32 $0.0e+00, v40;
	v40 =	vld [tilespmem:$0x1FE80]  }
0x1b4: {  	v4 =	vadd.f32 v52, v4;
	v52 =	vld [tilespmem:$0x1FD80]  }
0x1b5: {  	v6 =	vadd.f32 v53, v6;
	v53 =	vld [tilespmem:$0x1C90]  }
0x1b6: {  	v7 =	vadd.f32 v19, v7;
	v19 =	vld [tilespmem:$0x28A0]  }
0x1b7: {  	v14 =	vadd.f32 v44, v14;
	v44 =	vld [tilespmem:$0x1FEC0]  }
0x1b8: {  	v4 =	vadd.f32 v54, v4;
	v54 =	vld [tilespmem:$0x1FD90]  }
0x1b9: {  	v5 =	vadd.f32 v61, v5;
	v61 =	vld [tilespmem:$0x2610]  }
0x1ba: {  	v6 =	vadd.f32 v56, v6;
	v56 =	vld [tilespmem:$0x1D10]  }
0x1bb: {  	v7 =	vadd.f32 v23, v7;
	v23 =	vld [tilespmem:$0x2910]  }
0x1bc: {  	v13 =	vadd.f32 v50, v13;
	v50 =	vld [tilespmem:$0x1FEF0]  }
0x1bd: {  	v4 =	vadd.f32 v57, v4;
	v57 =	vld [tilespmem:$0x1FDB0]  }
0x1be: {  	v5 =	vadd.f32 v17, v5;
	v17 =	vld [tilespmem:$0x2790]  }
0x1bf: {  	v6 =	vadd.f32 v59, v6;
	v59 =	vld [tilespmem:$0x1FDC0]  }
0x1c0: {  	v13 =	vadd.f32 v55, v13;
	v55 =	vld [tilespmem:$0x2930]  }
0x1c1: {  	v7 =	vadd.f32 v27, v7;
	v4 =	vadd.f32 v60, v4;
	v60 =	vld [tilespmem:$0x1FDD0]  }
0x1c2: {  	v6 =	vadd.f32 v62, v6;
	v62 =	vld [tilespmem:$0x1FDE0]  }
0x1c3: {  	v5 =	vadd.f32 v21, v5;
	v7 =	vadd.f32 v31, v7;
	v31 =	vld [tilespmem:$0x1FE00]  }
0x1c4: {  	v4 =	vadd.f32 v16, v4;
	v16 =	vadd.f32 $0.0e+00, v43;
	v43 =	vld [tilespmem:$0x1FEB0]  }
0x1c5: {  	v5 =	vadd.f32 v25, v5;
	v25 =	vld [tilespmem:$0x2920]  }
0x1c6: {  	v6 =	vadd.f32 v18, v6;
	v18 =	vld [tilespmem:$0x2890]  }
0x1c7: {  	v16 =	vadd.f32 v47, v16;
	v47 =	vld [tilespmem:$0x1FEE0]  }
0x1c8: {  	v5 =	vadd.f32 v29, v5;
	v6 =	vadd.f32 v22, v6;
	v22 =	vld [tilespmem:$0x2810]  }
0x1c9: {  	v4 =	vadd.f32 v20, v4;
	v13 =	vadd.f32 v60, v13;
	v60 =	vld [tilespmem:$0x28C0]  }
0x1ca: {  	v5 =	vadd.f32 v33, v5;
	v33 =	vld [tilespmem:$0x1FE10]  }
0x1cb: {  	v4 =	vadd.f32 v24, v4;
	v24 =	vld [tilespmem:$0x2520]  }
0x1cc: {  	v16 =	vadd.f32 v54, v16;
	v54 =	vld [tilespmem:$0x1FF20]  }
0x1cd: {  	v8 =	vadd.f32 v26, v6;
	v6 =	vadd.f32 v34, v7;
	v34 =	vld [tilespmem:$0x1FE20]  }
0x1ce: {  	v7 =	vadd.f32 $0.0e+00, v35;
	v35 =	vld [tilespmem:$0x1FE30]  }
0x1cf: {  	v26 =	vld [tilespmem:$0x2530]  }
0x1d0: {  	v5 =	vadd.f32 v36, v5;
	v16 =	vadd.f32 v59, v16;
	v36 =	vld [tilespmem:$0x1FE40]  }
0x1d1: {  	v59 =	vld [tilespmem:$0x1FF50];
	v12 =	vadd.f32 v30, v6;
	v6 =	vadd.f32 v37, v7  }
0x1d2: {  	v30 =	vld [tilespmem:$0x1FDF0]  }
0x1d3: {  	v37 =	vld [tilespmem:$0x1FE50];
	v6 =	vadd.f32 v39, v6  }
0x1d4: {  	v7 =	vadd.f32 v52, v14;
	v14 =	vld [tilespmem:$0x24A0]  }
0x1d5: {  	v52 =	vld [tilespmem:$0x28B0];
	v6 =	vadd.f32 v42, v6  }
0x1d6: {  	v5 =	vadd.f32 v32, v5;
	v32 =	vld [tilespmem:$0x2710];
	v3 =	vadd.f32 v60, v3  }
0x1d7: {  	v60 =	vld [tilespmem:$0x21F0];
	v7 =	vadd.f32 v57, v7;
	v6 =	vadd.f32 v45, v6  }
0x1d8: {  	v13 =	vadd.f32 v31, v13;
	v39 =	vld [tilespmem:$0x1FE70]  }
0x1d9: {  	v57 =	vld [tilespmem:$0x2540];
	v7 =	vadd.f32 v62, v7;
	v6 =	vadd.f32 v51, v6  }
0x1da: {  	v13 =	vadd.f32 v35, v13;
	v35 =	vld [tilespmem:$0x24D0];
	v16 =	vadd.f32 v30, v16  }
0x1db: {  	v42 =	vld [tilespmem:$0x1FEA0];
	v7 =	vadd.f32 v33, v7;
	v6 =	vadd.f32 v53, v6  }
0x1dc: {  	v4 =	vadd.f32 v28, v4;
	v62 =	vld [tilespmem:$0x2940];
	v16 =	vadd.f32 v34, v16  }
0x1dd: {  	v45 =	vld [tilespmem:$0x1FED0];
	v7 =	vadd.f32 v36, v7;
	v6 =	vadd.f32 v56, v6  }
0x1de: {  	v13 =	vadd.f32 v38, v13;
	v34 =	vld [tilespmem:$0x1FF90];
	v16 =	vadd.f32 v37, v16  }
0x1df: {  	v51 =	vld [tilespmem:$0x1FF00];
	v7 =	vadd.f32 v39, v7;
	v6 =	vadd.f32 v58, v6  }
0x1e0: {  	v13 =	vadd.f32 v41, v13;
	v53 =	vld [tilespmem:$0x1FF10];
	v16 =	vadd.f32 v40, v16  }
0x1e1: {  	v7 =	vadd.f32 v42, v7;
	v56 =	vld [tilespmem:$0x1FF30];
	v6 =	vadd.f32 v61, v6  }
0x1e2: {  	v13 =	vadd.f32 v44, v13;
	v16 =	vadd.f32 v43, v16;
	v58 =	vld [tilespmem:$0x1FF40]  }
0x1e3: {  	v7 =	vadd.f32 v45, v7;
	v61 =	vld [tilespmem:$0x1FF60];
	v6 =	vadd.f32 v63, v6  }
0x1e4: {  	v13 =	vadd.f32 v50, v13;
	v16 =	vadd.f32 v47, v16;
	v63 =	vld [tilespmem:$0x1FF70]  }
0x1e5: {  	v7 =	vadd.f32 v51, v7;
	v6 =	vadd.f32 v32, v6;
	v32 =	vld [tilespmem:$0x1FF80]  }
0x1e6: {  	v36 =	vld [tilespmem:$0x1FFA0];
	v13 =	vadd.f32 v54, v13;
	v16 =	vadd.f32 v53, v16  }
0x1e7: {  	v8 =	vadd.f32 v52, v8;
	v37 =	vld [tilespmem:$0x1FFB0];
	v7 =	vadd.f32 v56, v7  }
0x1e8: {  	v39 =	vld [tilespmem:$0x1FFC0];
	v13 =	vadd.f32 v59, v13;
	v16 =	vadd.f32 v58, v16  }
0x1e9: {  	v41 =	vld [tilespmem:$0x1FFD0];
	v15 =	vadd.f32 v57, v1;
	v7 =	vadd.f32 v61, v7  }
0x1ea: {  	v43 =	vld [tilespmem:$0x1FFE0];
	v16 =	vadd.f32 v63, v16;
	v13 =	vadd.f32 v32, v13  }
0x1eb: {  	v38 =	vld [tilespmem:$0x2550];
	v6 =	vadd.f32 v17, v6;
	v7 =	vadd.f32 v34, v7  }
0x1ec: {  	v52 =	vld [tilespmem:$0x26E0];
	v16 =	vadd.f32 v36, v16;
	v13 =	vadd.f32 v37, v13  }
0x1ed: {  	v33 =	vld [tilespmem:$0x2450];
	v6 =	vadd.f32 v22, v6;
	v7 =	vadd.f32 v39, v7  }
0x1ee: {  	v57 =	vld [tilespmem:$0x1970];
	v10 =	vadd.f32 v10, v16;
	v13 =	vadd.f32 v41, v13  }
0x1ef: {  	v44 =	vld [tilespmem:$0x1D80];
	v18 =	vadd.f32 v18, v6;
	v6 =	vadd.f32 v43, v7  }
0x1f0: {  	v14 =	vadd.f32 v14, v5;
	v45 =	vld [tilespmem:$0x2460];
	v10 =	vadd.f32 v11, v10;
	(xrf2) =	vadd.scan.msk.f32 $0xffff, v13  }
0x1f1: {  	v9 =	vadd.f32 v9, v4;
	v40 =	vld [tilespmem:$0x28D0];
	v5 =	vadd.f32 v23, v18;
	(xrf2) =	vadd.scan.msk.f32 $0xffff, v6  }
0x1f2: {  	v12 =	vadd.f32 v19, v12;
	v14 =	vadd.f32 v24, v14;
	v47 =	vld [tilespmem:$0x24E0];
	(xrf2) =	vadd.scan.msk.f32 $0xffff, v10  }
0x1f3: {  	v9 =	vadd.f32 v26, v9;
	v51 =	vld [tilespmem:$0x2660];
	(xrf2) =	vadd.scan.msk.f32 $0xffff, v5  }
0x1f4: {  	v4 =	vadd.f32 v25, v12;
	v1 =	vadd.f32 v62, v3;
	v50 =	vld [tilespmem:$0x2560];
	(xrf2) =	vadd.scan.msk.f32 $0xffff, v14  }
0x1f5: {  	v42 =	vld [tilespmem:$0x2950];
	v54 =	vadd.f32 v33, v2;
	v11 =	vadd.f32 v45, v49  }
0x1f6: {  	v19 =	vadd.f32 v57, v46;
	v46 =	vld [tilespmem:$0x2670];
	v2 =	vadd.f32 v55, v8;
	(xrf2) =	vadd.scan.msk.f32 $0xffff, v4  }
0x1f7: {  	v53 =	vld [tilespmem:$0x2760];
	v17 =	vadd.f32 v35, v54;
	v11 =	vadd.f32 v47, v11;
	(xrf2) =	vadd.scan.msk.f32 $0xffff, v9  }
0x1f8: {  	v55 =	vld [tilespmem:$0x27E0];
	v0 =	vadd.f32 v40, v0;
	v61 =	vadd.f32 v51, v48;
	(xrf2) =	vadd.scan.msk.f32 $0xffff, v2  }
0x1f9: {  	v56 =	vld [tilespmem:$0x2860];
	v59 =	vadd.f32 v38, v17;
	(xrf2) =	vadd.scan.msk.f32 $0xffff, v15  }
0x1fa: {  	v0 =	vadd.f32 v42, v0;
	v58 =	vld [tilespmem:$0x28E0];
	v12 =	vadd.f32 v52, v61;
	v62, _, _ =	vpop (xrf2);
	(xrf2) =	vadd.scan.msk.f32 $0xffff, v1  }
0x1fb: {  	v48 =	vld [tilespmem:$0x1E00];
	v10 =	vadd.f32 v50, v11;
	v11, _, _ =	vpop (xrf2);
	(v2sf) =	vpush v62, $0xF;
	(xrf2) =	vadd.scan.msk.f32 $0xffff, v59  }
0x1fc: {  	v32 =	vld [tilespmem:$0x2270];
	v12 =	vadd.f32 v53, v12;
	(v2sf) =	vpush v11, $0xF;
	v33, _, _ =	vpop (xrf2);
	(xrf2) =	vadd.scan.msk.f32 $0xffff, v0  }
0x1fd: {  	v63 =	vld [tilespmem:$0x2960];
	v35, _, _ =	vpop (xrf2);
	(v2sf) =	vpush v33, $0xF;
	(xrf2) =	vadd.scan.msk.f32 $0xffff, v10  }
0x1fe: {  	v34 =	vld [tilespmem:$0x22F0];
	v8 =	vadd.f32 v55, v12;
	v36, _, _ =	vpop (xrf2);
	(v2sf) =	vpush v35, $0xF  }
0x1ff: {  	v39 =	vld [tilespmem:$0x25F0];
	v15 =	vadd.f32 v60, v19;
	(v2sf) =	vpush v36, $0xF  }
0x200: {  	v7 =	vadd.f32 $0.0e+00, v44;
	v37 =	vld [tilespmem:$0x2370];
	v8 =	vadd.f32 v56, v8;
	v38, _, _ =	vpop (xrf2)  }
0x201: {  	v49 =	vld [tilespmem:$0x1FFF0];
	v13 =	vadd.f32 v32, v15;
	v40, _, _ =	vpop (xrf2);
	(v2sf) =	vpush v38, $0xF  }
0x202: {  	v41 =	vld [tilespmem:$0x23F0];
	v3 =	vadd.f32 v58, v8;
	v42, _, _ =	vpop (xrf2);
	(v2sf) =	vpush v40, $0xF  }
0x203: {  	v51 =	vld [tilespmem:$0x26F0];
	v13 =	vadd.f32 v34, v13;
	v44, _, _ =	vpop (xrf2);
	(v2sf) =	vpush v42, $0xF  }
0x204: {  	v43 =	vld [tilespmem:$0x2470];
	v3 =	vadd.f32 v63, v3;
	(v2sf) =	vpush v44, $0xF;
	v47, _, _ =	vpop (xrf2)  }
0x205: {  	v54 =	vld [tilespmem:$0x2770];
	v13 =	vadd.f32 v37, v13;
	v50, _, _ =	vpop (xrf2);
	(v2sf) =	vpush v47, $0xF  }
0x206: {  	v45 =	vld [tilespmem:$0x24F0];
	v23 =	vadd.f32 v39, v49;
	v53, _, _ =	vpop (xrf2);
	(v2sf) =	vpush v50, $0xF  }
0x207: {  	v52 =	vld [tilespmem:$0x1E80];
	v13 =	vadd.f32 v41, v13;
	(xrf2) =	vadd.scan.msk.f32 $0xffff, v3;
	(v2sf) =	vpush v53, $0xF;
	v55, _, _ =	vpop (xrf2)  }
0x208: {  	v56 =	vld [tilespmem:$0x2570];
	v9 =	vadd.f32 v46, v23;
	(v2sf) =	vpush v55, $0xF  }
0x209: {  	v58 =	vld [tilespmem:$0x27F0];
	v13 =	vadd.f32 v43, v13  }
0x20a: {  	v57 =	vld [tilespmem:$0x1F00];
	v9 =	vadd.f32 v51, v9;
	v16 =	vadd.f32 $0.0e+00, v62;
	s21 =	spop (v2sf)  }
0x20b: {  	v7 =	vadd.f32 v48, v7;
	v59 =	vld [tilespmem:$0x2870];
	v13 =	vadd.f32 v45, v13;
	s22 =	spop (v2sf);
	s4 =	sadd.f32 $0.0e+00, s21  }
0x20c: {  	v9 =	vadd.f32 v54, v9;
	v16 =	vadd.f32 $1.000000010e-07, v16;
	s6 =	spop (v2sf)  }
0x20d: {  	v60 =	vld [tilespmem:$0x1F80];
	v13 =	vadd.f32 v56, v13;
	s7 =	spop (v2sf);
	v17 =	vadd.f32 s4, v33;
	s4 =	sadd.f32 s6, s4  }
0x20e: {  	v7 =	vadd.f32 v52, v7;
	v62 =	vld [tilespmem:$0x28F0];
	v9 =	vadd.f32 v58, v9;
	s23 =	spop (v2sf)  }
0x20f: {  	v26 =	vld [tilespmem:$0x2000];
	(erf) = vrcp.f32 v16;
	(xrf2) =	vadd.scan.msk.f32 $0xffff, v13;
	v61 =	vadd.f32 $1.000000010e-07, v17;
	s6 =	sadd.f32 s23, s4;
	v10 =	vadd.f32 s4, v36  }
0x210: {  	v7 =	vadd.f32 v57, v7;
	v63 =	vld [tilespmem:$0x2970];
	v9 =	vadd.f32 v59, v9;
	s8 =	spop (v2sf)  }
0x211: {  	v25, _, _ =	vpop (xrf2);
	s9 =	spop (v2sf);
	(erf) = vrcp.f32 v61;
	v10 =	vadd.f32 $1.000000010e-07, v10;
	v19 =	vadd.f32 s6, v40  }
0x212: {  	v28 =	vld [tilespmem:$0x2080];
	v7 =	vadd.f32 v60, v7;
	(v2sf) =	vpush v25, $0xF;
	s24 =	spop (v2sf);
	s9 =	sadd.f32 s9, s6  }
0x213: {  	v9 =	vadd.f32 v62, v9;
	s25 =	spop (v2sf);
	(erf) = vrcp.f32 v10;
	v27 =	vadd.f32 $1.000000010e-07, v19  }
0x214: {  	v11 =	vadd.f32 $0.0e+00, v11;
	s6 =	sadd.f32 s25, s9;
	v15 =	vadd.f32 s9, v44;
	s10 =	spop (v2sf)  }
0x215: {  	v7 =	vadd.f32 v26, v7;
	v9 =	vadd.f32 v63, v9;
	s5 =	sadd.f32 $0.0e+00, s22;
	s26 =	spop (v2sf);
	(erf) = vrcp.f32 v27  }
0x216: {  	v8 =	vadd.f32 s6, v50;
	v30 =	vadd.f32 $1.000000010e-07, v15;
	s6 =	sadd.f32 s26, s6;
	s28 =	spop (v2sf)  }
0x217: {  	v6 =	vmul.f32 v11, v6;
	v7 =	vadd.f32 v28, v7;
	v29 =	vadd.f32 s5, v35;
	s5 =	sadd.f32 s7, s5;
	s29 =	spop (v2sf)  }
0x218: {  	v31 =	vld [tilespmem:$0x2100];
	v32 =	vpop (erf);
	(xrf2) =	vadd.scan.msk.f32 $0xffff, v9;
	(erf) = vrcp.f32 v30;
	v8 =	vadd.f32 $1.000000010e-07, v8;
	s7 =	sadd.f32 s29, s6;
	v33 =	vadd.f32 s6, v55  }
0x219: {  	v6 =	vmul.f32 v6, v32;
	v5 =	vmul.f32 v29, v5;
	v34 =	vadd.f32 s5, v38;
	s5 =	sadd.f32 s8, s5;
	v35, _, _ =	vpop (xrf2)  }
0x21a: {  	v37 =	vld [tilespmem:$0x2980];
	v14 =	vadd.f32 s7, v35;
	v36 =	vpop (erf);
	(erf) = vrcp.f32 v8;
	v38 =	vadd.f32 $1.000000010e-07, v33  }
0x21b: {  	v6 =	vadd.f32 $0.0e+00, v6;
	v4 =	vmul.f32 v34, v4;
	v39 =	vadd.f32 s5, v42;
	s4 =	sadd.f32 s24, s5  }
0x21c: {  	v41 =	vld [tilespmem:$0x2A00];
	v5 =	vmul.f32 v5, v36;
	v40 =	vpop (erf);
	(erf) = vrcp.f32 v38;
	v42 =	vadd.f32 $1.000000010e-07, v14  }
0x21d: {  	v7 =	vadd.f32 v31, v7;
	v2 =	vmul.f32 v39, v2;
	v43 =	vadd.f32 s4, v47;
	s4 =	sadd.f32 s10, s4  }
0x21e: {  	v45 =	vld [tilespmem:$0x2A80];
	v5 =	vadd.f32 v5, v6;
	v4 =	vmul.f32 v4, v40;
	v44 =	vpop (erf);
	(erf) = vrcp.f32 v42  }
0x21f: {  	v7 =	vadd.f32 v37, v7;
	v48 =	vadd.f32 s4, v53;
	s4 =	sadd.f32 s28, s4  }
0x220: {  	v47 =	vld [tilespmem:$0x2B00];
	v1 =	vmul.f32 v43, v1;
	v4 =	vadd.f32 v4, v5;
	v2 =	vmul.f32 v2, v44  }
0x221: {  	v7 =	vadd.f32 v41, v7;
	v51 =	vadd.f32 s4, v25;
	s30 =	spop (v2sf);
	v46 =	vpop (erf)  }
0x222: {  	v50 =	vld [tilespmem:$0x2B80];
	v52, _, _ =	vpop (xrf2);
	v0 =	vmul.f32 v48, v0;
	s4 =	sadd.f32 s30, s4;
	v2 =	vadd.f32 v2, v4;
	v1 =	vmul.f32 v1, v46  }
0x223: {  	v7 =	vadd.f32 v45, v7;
	v3 =	vmul.f32 v51, v3;
	v49 =	vpop (erf)  }
0x224: {  	v53 =	vld [tilespmem:$0x2C00];
	v1 =	vadd.f32 v1, v2;
	v2 =	vadd.f32 s4, v52;
	v0 =	vmul.f32 v0, v49  }
0x225: {  	v6 =	vadd.f32 v47, v7;
	v54 =	vpop (erf)  }
0x226: {  	v56 =	vld [tilespmem:$0x2C80];
	v2 =	vmul.f32 v2, v9;
	v0 =	vadd.f32 v0, v1;
	v55 =	vmul.f32 v3, v54  }
0x227: {  	v5 =	vadd.f32 v50, v6;
	v57 =	vpop (erf)  }
0x228: {  	v59 =	vld [tilespmem:$0x2D00];
	v0 =	vadd.f32 v55, v0;
	v58 =	vmul.f32 v2, v57  }
0x229: {  	v4 =	vadd.f32 v53, v5  }
0x22a: {  	v0 =	vadd.f32 v58, v0  }
0x22b: {  	v60 =	vadd.f32 v56, v4  }
0x22c: {  	(xrf2) =	vadd.scan.msk.f32 $0xffff, v0  }
0x22d: {  	v61 =	vadd.f32 v59, v60;
	_ =	sdelay $0x1  }
0x22e: {  	(erf) = vrcp.f32 v61;
	_ =	sdelay $0x6  }
0x22f: {  	v62, _, _ =	vpop (xrf2)  }
0x230: {  	v0 =	vbroadcast v62, $0xF  }
0x231: {  	v63 =	vpop (erf)  }
0x232: {  	v0 =	vmul.f32 v63, v0;
	_ =	sdelay $0x1  }
0x233: {  	s31 =	simm.s32 $0x0;
	[tilespmem:$0x1400] =	vst v0  }
0x234: {  	[hbm4b:s1+s31] =	stream.linear.scatter [tilespmem:s3], [sflag:$0x1], $0x10, $0x38;
	[tilespmem:$0x2EA0] =	vst v63  }
0x235: {  	_ =	swait.ge [sflag:s2], $0x10  }
0x236: {  	[sflag:s2] =	ssyncset.done $0x0  }
0x237: {  	[sflag:s2] =	ssyncadd.s32 $0xFFFFFFF0  }
0x238: {  	_ =	sfence.sel $0x180000  }
0x239: {  	[bflag:$0x0] =	sbarrier.arrive $0xFFFF  }
0x23a: {  	_ =	strace $0x90000047  }
0x23b: {  	s0 =	sadd.s32 $0x100000, s0;
	[bflag:$0x2] =	sbarrier.arrive $0xFFFF  }
0x23c: {  	[sflag:s0] =	ssyncadd.tile.s32 $0x1;
	_ =	shalt  }
.Lfunc_end2:
_tile_overlayer_lowered:
.L_overlay_start_2:
0x23d: {  	(tag) =	ssettag $0x2  }
0x23e: {  	s0 =	rddreg [dreg:$0x0];
	s2 =	stileid.u32  }
0x23f: {  	s1 =	rddreg [dreg:$0x1];
	p0 =	sne.s32 s2, $0x0  }
0x240: {  	s3 =	rddreg [dreg:$0x2];
	[bflag:$0x3] =	sbarrier.arrive $0xFFFF;
	s2 =	simm.s32 @!p0 $0x1C01  }
0x241: {  	[timem:s3], [sflag:s2] =	dma.local @!p0 [hbm:s0], s1  }
0x242: {  	s0 =	simm.s32 @!p0 $0x1  }
0x243: {  	_ =	swait.ge @!p0 [sflag:s0], s1  }
0x244: {  	s1 =	ssub.s32 @!p0 $0x0, s1;
	[sflag:s0] =	ssyncset.done @!p0 $0x0  }
0x245: {  	[sflag:s0] =	ssyncadd.s32 @!p0 s1  }
0x246: {  	[bflag:$0x3] =	sbarrier.arrive $0xFFFF  }
0x247: {  	_ =	shalt  }

</sc_bundles>
